<compile_context>
chip_gen: v7x
topology: tpu7x:2x2x1
jax: 0.10.2.dev20260603
libtpu: 0.0.44.dev20260713+nightly
codegen_flags: <defaults>
</compile_context>

<pallas_src>
import functools

import jax
import jax.numpy as jnp
from jax import lax
from jax.experimental import pallas as pl
from jax.experimental.pallas import tpu as pltpu
from jax.experimental.pallas import tpu_sc as plsc


_L = 16
_BW = 128
_TP = 129


@functools.lru_cache(maxsize=None)
def _make_gather(num_rows: int, feat: int, nb: int, nh: int):
    info = plsc.get_sparse_core_info()
    nc, ns = info.num_cores, info.num_subcores
    nw = nc * ns
    assert nb == nw * _BW and feat == 32 and nh % 2 == 0
    ftiles = feat // 8
    mesh = plsc.VectorSubcoreMesh(core_axis_name="core", subcore_axis_name="sub")

    @functools.partial(
        pl.kernel,
        out_type=jax.ShapeDtypeStruct((nh * ftiles * nw * 8, _BW), jnp.float32),
        mesh=mesh,
        scratch_types=[
            pltpu.VMEM((nh, _BW), jnp.int32),
            [pltpu.VMEM((_BW, feat), jnp.float32)] * 2,
            [pltpu.VMEM((feat, _TP), jnp.float32)] * 2,
            [pltpu.SemaphoreType.DMA] * 2,
            [pltpu.SemaphoreType.DMA] * 2,
        ],
        compiler_params=pltpu.CompilerParams(
            use_tc_tiling_on_sc=False, needs_layout_passes=False),
    )
    def gather_kernel(idx_hbm, table_hbm, out_hbm, idx_v, rows_v, t_v,
                      sems_g, sems_s):
        w = lax.axis_index("sub") * nc + lax.axis_index("core")
        pltpu.sync_copy(idx_hbm.at[:, pl.ds(w * _BW, _BW)], idx_v)

        iota = lax.iota(jnp.int32, _L)
        f_lo = iota
        f_hi = iota + _L

        def fire(h, b):
            return pltpu.async_copy(
                table_hbm.at[idx_v.at[h]], rows_v[b], sems_g[b])

        def transpose(b):
            def tbody(l4, carry):
                for k in range(4):
                    l = l4 * 4 + k
                    lv = jnp.full((_L,), l, dtype=jnp.int32)
                    v1 = rows_v[b][l, pl.ds(0, _L)]
                    v2 = rows_v[b][l, pl.ds(_L, _L)]
                    plsc.store_scatter(t_v[b], [f_lo, lv], v1)
                    plsc.store_scatter(t_v[b], [f_hi, lv], v2)
                return carry
            lax.fori_loop(0, _BW // 4, tbody, 0)

        def store(h, b):
            return [
                pltpu.async_copy(
                    t_v[b].at[pl.ds(i * 8, 8), pl.ds(0, _BW)],
                    out_hbm.at[pl.ds((((h * ftiles) + i) * nw + w) * 8, 8)],
                    sems_s[b],
                )
                for i in range(ftiles)
            ]

        def body(p, carry):
            h0 = p * 2
            g0 = fire(h0, 0)
            g1 = fire(h0 + 1, 1)
            g0.wait()
            transpose(0)
            s0 = store(h0, 0)
            g1.wait()
            transpose(1)
            s1 = store(h0 + 1, 1)
            for cp in s0 + s1:
                cp.wait()
            return carry

        lax.fori_loop(0, nh // 2, body, 0)

    def run(x, table):
        idx_hm = jnp.transpose(x, (1, 2, 0)).reshape(nh, nb)
        out = gather_kernel(idx_hm, table)
        out5 = out.reshape(nh, ftiles, nw, 8, _BW)
        return jnp.transpose(out5, (2, 4, 0, 1, 3)).reshape(nb, nh, feat)

    return run


def kernel(x, table):
    b, h = x.shape[0], x.shape[1]
    run = _make_gather(table.shape[0], table.shape[1], b, h)
    return run(x, table)

# --- scband reference (transcript-rebuilt; emitter-appended) ---
"""Pipeline reference for scband-embedding-44796508897834 (READ-ONLY COPY).

The authoritative reference and input builder live on the scoring server;
editing this copy changes nothing except your own understanding.
"""

import jax, jax.numpy as jnp
import numpy as np

NUM_EMBEDDINGS = 1000000
FEATURES = 32
BATCH = 4096
HIST = 200


def setup_inputs(seed: int = 0) -> dict:
    key = jax.random.key(seed)
    k1, k2 = jax.random.split(key)
    x = jax.random.randint(k1, (BATCH, HIST, 1), 0, NUM_EMBEDDINGS, dtype=jnp.int32)
    table = jax.random.normal(k2, (NUM_EMBEDDINGS, FEATURES), dtype=jnp.float32)
    # padding_idx=0 -> row 0 is zero
    table = table.at[0].set(0.0)
    return {"x": x, "table": table}


def reference(x, table):
    idx = x[..., 0]
    y = jnp.take(table, idx, axis=0)
    return y

if __name__ == "__main__":
    import jax
    _d = setup_inputs()
    print(jax.jit(kernel)(*tuple(_d.values())))

</pallas_src>

<mosaic_0001>
#map = affine_map<(d0, d1) -> (0, 0)>
module attributes {stable_mosaic.version = 14 : i64} {
  func.func @gather_kernel(%arg0: i32, %arg1: i32, %arg2: memref<200x4096xi32, #tpu.memory_space<hbm>>, %arg3: memref<1000000x32xf32, #tpu.memory_space<hbm>>, %arg4: memref<204800x128xf32, #tpu.memory_space<hbm>>, %arg5: memref<200x128xi32, #tpu.memory_space<vmem>>, %arg6: memref<128x32xf32, #tpu.memory_space<vmem>>, %arg7: memref<128x32xf32, #tpu.memory_space<vmem>>, %arg8: memref<32x129xf32, #tpu.memory_space<vmem>>, %arg9: memref<32x129xf32, #tpu.memory_space<vmem>>, %arg10: memref<!tpu.dma_semaphore, #tpu.memory_space<semaphore_mem>>, %arg11: memref<!tpu.dma_semaphore, #tpu.memory_space<semaphore_mem>>, %arg12: memref<!tpu.dma_semaphore, #tpu.memory_space<semaphore_mem>>, %arg13: memref<!tpu.dma_semaphore, #tpu.memory_space<semaphore_mem>>) attributes {dimension_semantics = [#tpu.dimension_semantics<core_parallel>, #tpu.dimension_semantics<subcore_parallel>], iteration_bounds = array<i64: 2, 16>, scalar_prefetch = 0 : i64, scratch_operands = 9 : i64, tpu.core_type = #tpu.core_type<sc_vector_subcore>, window_params = [{transform_indices = #map}, {transform_indices = #map}, {transform_indices = #map}]} {
    %mul3A = arith.constant 2 : i32
    %mul3A_0 = arith.muli %arg1, %mul3A : i32
    %add3A = arith.addi %mul3A_0, %arg0 : i32
    %mul3A_1 = arith.constant 128 : i32
    %mul3A_2 = arith.muli %add3A, %mul3A_1 : i32
    "tpu.region"() ({
      %run_scoped3A = tpu.sem_alloc : memref<!tpu.dma_semaphore, #tpu.memory_space<semaphore_mem>>
      %dma_start3A = arith.constant 0 : i32
      %dma_start3A_11 = tpu.memref_slice %arg2[%dma_start3A, %mul3A_2] : memref<200x4096xi32, #tpu.memory_space<hbm>> -> memref<200x128xi32, #tpu.memory_space<hbm>>
      %dma_start3A_12 = arith.constant 0 : i32
      %dma_start3A_13 = tpu.memref_slice %arg2[%dma_start3A_12, %mul3A_2] : memref<200x4096xi32, #tpu.memory_space<hbm>> -> memref<200x128xi32, #tpu.memory_space<hbm>>
      tpu.enqueue_dma source(%dma_start3A_13 : memref<200x128xi32, #tpu.memory_space<hbm>>) target(%arg5 : memref<200x128xi32, #tpu.memory_space<vmem>>) target_semaphore(%run_scoped3A : memref<!tpu.dma_semaphore, #tpu.memory_space<semaphore_mem>>)
      %dma_wait3A = arith.constant 0 : i32
      %dma_wait3A_14 = tpu.memref_slice %arg2[%dma_wait3A, %mul3A_2] : memref<200x4096xi32, #tpu.memory_space<hbm>> -> memref<200x128xi32, #tpu.memory_space<hbm>>
      %dma_wait3A_15 = arith.constant 0 : i32
      %dma_wait3A_16 = tpu.memref_slice %arg2[%dma_wait3A_15, %mul3A_2] : memref<200x4096xi32, #tpu.memory_space<hbm>> -> memref<200x128xi32, #tpu.memory_space<hbm>>
      tpu.wait_dma2 semaphore(%run_scoped3A : memref<!tpu.dma_semaphore, #tpu.memory_space<semaphore_mem>>) src(%dma_wait3A_16 : memref<200x128xi32, #tpu.memory_space<hbm>>) dst(%arg5 : memref<200x128xi32, #tpu.memory_space<vmem>>)
      tpu.yield
    }) : () -> ()
    %iota3A = tpu.iota {dimensions = array<i32: 0>} : vector<16xi32>
    %add3A_3 = arith.constant 16 : i32
    %add3A_4 = vector.broadcast %add3A_3 : i32 to vector<16xi32>
    %add3A_5 = arith.addi %iota3A, %add3A_4 : vector<16xi32>
    %scan3A = arith.constant 0 : i32
    %scan3A_6 = arith.constant 0 : i32
    %scan3A_7 = arith.constant 100 : i32
    %scan3A_8 = arith.addi %scan3A_6, %scan3A_7 : i32
    %scan3A_9 = arith.constant 1 : i32
    scf.for %scan3A_11 = %scan3A_6 to %scan3A_8 step %scan3A_9  : i32 {
      %mul3A_12 = arith.constant 2 : i32
      %mul3A_13 = arith.muli %scan3A_11, %mul3A_12 : i32
      %dma_start3A = arith.constant 0 : i32
      %dma_start3A_14 = tpu.memref_slice %arg5[%mul3A_13, %dma_start3A] : memref<200x128xi32, #tpu.memory_space<vmem>> -> memref<1x128xi32, #tpu.memory_space<vmem>>
      %dma_start3A_15 = tpu.memref_squeeze %dma_start3A_14 : memref<1x128xi32, #tpu.memory_space<vmem>> -> memref<128xi32, #tpu.memory_space<vmem>>
      %dma_start3A_16 = arith.constant 0 : i32
      %dma_start3A_17 = arith.constant 0 : i32
      %dma_start3A_18 = tpu.memref_slice %arg3[%dma_start3A_16, %dma_start3A_17] : memref<1000000x32xf32, #tpu.memory_space<hbm>> -> memref<1000000x32xf32, #tpu.memory_space<hbm>>
      tpu.enqueue_indirect_dma source(%dma_start3A_18 : memref<1000000x32xf32, #tpu.memory_space<hbm>>) target(%arg6 : memref<128x32xf32, #tpu.memory_space<vmem>>) offsets(%dma_start3A_15 : memref<128xi32, #tpu.memory_space<vmem>>) semaphore(%arg10 : memref<!tpu.dma_semaphore, #tpu.memory_space<semaphore_mem>>)
      %add3A_19 = arith.constant 1 : i32
      %add3A_20 = arith.addi %mul3A_13, %add3A_19 : i32
      %dma_start3A_21 = arith.constant 0 : i32
      %dma_start3A_22 = tpu.memref_slice %arg5[%add3A_20, %dma_start3A_21] : memref<200x128xi32, #tpu.memory_space<vmem>> -> memref<1x128xi32, #tpu.memory_space<vmem>>
      %dma_start3A_23 = tpu.memref_squeeze %dma_start3A_22 : memref<1x128xi32, #tpu.memory_space<vmem>> -> memref<128xi32, #tpu.memory_space<vmem>>
      %dma_start3A_24 = arith.constant 0 : i32
      %dma_start3A_25 = arith.constant 0 : i32
      %dma_start3A_26 = tpu.memref_slice %arg3[%dma_start3A_24, %dma_start3A_25] : memref<1000000x32xf32, #tpu.memory_space<hbm>> -> memref<1000000x32xf32, #tpu.memory_space<hbm>>
      tpu.enqueue_indirect_dma source(%dma_start3A_26 : memref<1000000x32xf32, #tpu.memory_space<hbm>>) target(%arg7 : memref<128x32xf32, #tpu.memory_space<vmem>>) offsets(%dma_start3A_23 : memref<128xi32, #tpu.memory_space<vmem>>) semaphore(%arg11 : memref<!tpu.dma_semaphore, #tpu.memory_space<semaphore_mem>>)
      %dma_wait3A = arith.constant 0 : i32
      %dma_wait3A_27 = tpu.memref_slice %arg5[%mul3A_13, %dma_wait3A] : memref<200x128xi32, #tpu.memory_space<vmem>> -> memref<1x128xi32, #tpu.memory_space<vmem>>
      %dma_wait3A_28 = tpu.memref_squeeze %dma_wait3A_27 : memref<1x128xi32, #tpu.memory_space<vmem>> -> memref<128xi32, #tpu.memory_space<vmem>>
      %dma_wait3A_29 = arith.constant 0 : i32
      %dma_wait3A_30 = arith.constant 0 : i32
      %dma_wait3A_31 = tpu.memref_slice %arg3[%dma_wait3A_29, %dma_wait3A_30] : memref<1000000x32xf32, #tpu.memory_space<hbm>> -> memref<1000000x32xf32, #tpu.memory_space<hbm>>
      tpu.wait_indirect_dma semaphore(%arg10 : memref<!tpu.dma_semaphore, #tpu.memory_space<semaphore_mem>>) src(%dma_wait3A_31 : memref<1000000x32xf32, #tpu.memory_space<hbm>>) dst(%arg6 : memref<128x32xf32, #tpu.memory_space<vmem>>)
      %scan3A_32 = arith.constant 0 : i32
      %scan3A_33 = arith.constant 0 : i32
      %scan3A_34 = arith.constant 32 : i32
      %scan3A_35 = arith.addi %scan3A_33, %scan3A_34 : i32
      %scan3A_36 = arith.constant 1 : i32
      scf.for %scan3A_284 = %scan3A_33 to %scan3A_35 step %scan3A_36  : i32 {
        %mul3A_285 = arith.constant 4 : i32
        %mul3A_286 = arith.muli %scan3A_284, %mul3A_285 : i32
        %add3A_287 = arith.constant 0 : i32
        %add3A_288 = arith.addi %mul3A_286, %add3A_287 : i32
        %broadcast_in_dim3A = vector.broadcast %add3A_288 : i32 to vector<16xi32>
        %get3A = arith.index_cast %add3A_288 : i32 to index
        %get3A_289 = arith.constant 0 : index
        %get3A_290 = tpu.vector_load %arg6[%get3A, %get3A_289] {strides = array<i32>} : memref<128x32xf32, #tpu.memory_space<vmem>>, vector<16xf32>,
        %get3A_291 = arith.index_cast %add3A_288 : i32 to index
        %get3A_292 = arith.constant 16 : index
        %get3A_293 = tpu.vector_load %arg6[%get3A_291, %get3A_292] {strides = array<i32>} : memref<128x32xf32, #tpu.memory_space<vmem>>, vector<16xf32>,
        tpu.vector_store_idx %arg8[%iota3A, %broadcast_in_dim3A], %get3A_290 : memref<32x129xf32, #tpu.memory_space<vmem>>[vector<16xi32>, vector<16xi32>], vector<16xf32>,
        tpu.vector_store_idx %arg8[%add3A_5, %broadcast_in_dim3A], %get3A_293 : memref<32x129xf32, #tpu.memory_space<vmem>>[vector<16xi32>, vector<16xi32>], vector<16xf32>,
        %mul3A_294 = arith.constant 4 : i32
        %mul3A_295 = arith.muli %scan3A_284, %mul3A_294 : i32
        %add3A_296 = arith.constant 1 : i32
        %add3A_297 = arith.addi %mul3A_295, %add3A_296 : i32
        %broadcast_in_dim3A_298 = vector.broadcast %add3A_297 : i32 to vector<16xi32>
        %get3A_299 = arith.index_cast %add3A_297 : i32 to index
        %get3A_300 = arith.constant 0 : index
        %get3A_301 = tpu.vector_load %arg6[%get3A_299, %get3A_300] {strides = array<i32>} : memref<128x32xf32, #tpu.memory_space<vmem>>, vector<16xf32>,
        %get3A_302 = arith.index_cast %add3A_297 : i32 to index
        %get3A_303 = arith.constant 16 : index
        %get3A_304 = tpu.vector_load %arg6[%get3A_302, %get3A_303] {strides = array<i32>} : memref<128x32xf32, #tpu.memory_space<vmem>>, vector<16xf32>,
        tpu.vector_store_idx %arg8[%iota3A, %broadcast_in_dim3A_298], %get3A_301 : memref<32x129xf32, #tpu.memory_space<vmem>>[vector<16xi32>, vector<16xi32>], vector<16xf32>,
        tpu.vector_store_idx %arg8[%add3A_5, %broadcast_in_dim3A_298], %get3A_304 : memref<32x129xf32, #tpu.memory_space<vmem>>[vector<16xi32>, vector<16xi32>], vector<16xf32>,
        %mul3A_305 = arith.constant 4 : i32
        %mul3A_306 = arith.muli %scan3A_284, %mul3A_305 : i32
        %add3A_307 = arith.constant 2 : i32
        %add3A_308 = arith.addi %mul3A_306, %add3A_307 : i32
        %broadcast_in_dim3A_309 = vector.broadcast %add3A_308 : i32 to vector<16xi32>
        %get3A_310 = arith.index_cast %add3A_308 : i32 to index
        %get3A_311 = arith.constant 0 : index
        %get3A_312 = tpu.vector_load %arg6[%get3A_310, %get3A_311] {strides = array<i32>} : memref<128x32xf32, #tpu.memory_space<vmem>>, vector<16xf32>,
        %get3A_313 = arith.index_cast %add3A_308 : i32 to index
        %get3A_314 = arith.constant 16 : index
        %get3A_315 = tpu.vector_load %arg6[%get3A_313, %get3A_314] {strides = array<i32>} : memref<128x32xf32, #tpu.memory_space<vmem>>, vector<16xf32>,
        tpu.vector_store_idx %arg8[%iota3A, %broadcast_in_dim3A_309], %get3A_312 : memref<32x129xf32, #tpu.memory_space<vmem>>[vector<16xi32>, vector<16xi32>], vector<16xf32>,
        tpu.vector_store_idx %arg8[%add3A_5, %broadcast_in_dim3A_309], %get3A_315 : memref<32x129xf32, #tpu.memory_space<vmem>>[vector<16xi32>, vector<16xi32>], vector<16xf32>,
        %mul3A_316 = arith.constant 4 : i32
        %mul3A_317 = arith.muli %scan3A_284, %mul3A_316 : i32
        %add3A_318 = arith.constant 3 : i32
        %add3A_319 = arith.addi %mul3A_317, %add3A_318 : i32
        %broadcast_in_dim3A_320 = vector.broadcast %add3A_319 : i32 to vector<16xi32>
        %get3A_321 = arith.index_cast %add3A_319 : i32 to index
        %get3A_322 = arith.constant 0 : index
        %get3A_323 = tpu.vector_load %arg6[%get3A_321, %get3A_322] {strides = array<i32>} : memref<128x32xf32, #tpu.memory_space<vmem>>, vector<16xf32>,
        %get3A_324 = arith.index_cast %add3A_319 : i32 to index
        %get3A_325 = arith.constant 16 : index
        %get3A_326 = tpu.vector_load %arg6[%get3A_324, %get3A_325] {strides = array<i32>} : memref<128x32xf32, #tpu.memory_space<vmem>>, vector<16xf32>,
        tpu.vector_store_idx %arg8[%iota3A, %broadcast_in_dim3A_320], %get3A_323 : memref<32x129xf32, #tpu.memory_space<vmem>>[vector<16xi32>, vector<16xi32>], vector<16xf32>,
        tpu.vector_store_idx %arg8[%add3A_5, %broadcast_in_dim3A_320], %get3A_326 : memref<32x129xf32, #tpu.memory_space<vmem>>[vector<16xi32>, vector<16xi32>], vector<16xf32>,
      }
      %scan3A_37 = arith.constant 32 : i32
      %mul3A_38 = arith.constant 4 : i32
      %mul3A_39 = arith.muli %mul3A_13, %mul3A_38 : i32
      %add3A_40 = arith.constant 0 : i32
      %add3A_41 = arith.addi %mul3A_39, %add3A_40 : i32
      %mul3A_42 = arith.constant 32 : i32
      %mul3A_43 = arith.muli %add3A_41, %mul3A_42 : i32
      %add3A_44 = arith.addi %mul3A_43, %add3A : i32
      %mul3A_45 = arith.constant 8 : i32
      %mul3A_46 = arith.muli %add3A_44, %mul3A_45 : i32
      %dma_start3A_47 = arith.constant 0 : i32
      %dma_start3A_48 = arith.constant 0 : i32
      %dma_start3A_49 = tpu.memref_slice %arg8[%dma_start3A_47, %dma_start3A_48] : memref<32x129xf32, #tpu.memory_space<vmem>> -> memref<8x128xf32, #tpu.memory_space<vmem>>
      %dma_start3A_50 = arith.constant 0 : i32
      %dma_start3A_51 = tpu.memref_slice %arg4[%mul3A_46, %dma_start3A_50] : memref<204800x128xf32, #tpu.memory_space<hbm>> -> memref<8x128xf32, #tpu.memory_space<hbm>>
      %dma_start3A_52 = arith.constant 0 : i32
      %dma_start3A_53 = tpu.memref_slice %arg4[%mul3A_46, %dma_start3A_52] : memref<204800x128xf32, #tpu.memory_space<hbm>> -> memref<8x128xf32, #tpu.memory_space<hbm>>
      %dma_start3A_54 = arith.constant 0 : i32
      %dma_start3A_55 = arith.constant 0 : i32
      %dma_start3A_56 = tpu.memref_slice %arg8[%dma_start3A_54, %dma_start3A_55] : memref<32x129xf32, #tpu.memory_space<vmem>> -> memref<8x128xf32, #tpu.memory_space<vmem>>
      tpu.enqueue_dma source(%dma_start3A_56 : memref<8x128xf32, #tpu.memory_space<vmem>>) target(%dma_start3A_53 : memref<8x128xf32, #tpu.memory_space<hbm>>) target_semaphore(%arg12 : memref<!tpu.dma_semaphore, #tpu.memory_space<semaphore_mem>>)
      %mul3A_57 = arith.constant 4 : i32
      %mul3A_58 = arith.muli %mul3A_13, %mul3A_57 : i32
      %add3A_59 = arith.constant 1 : i32
      %add3A_60 = arith.addi %mul3A_58, %add3A_59 : i32
      %mul3A_61 = arith.constant 32 : i32
      %mul3A_62 = arith.muli %add3A_60, %mul3A_61 : i32
      %add3A_63 = arith.addi %mul3A_62, %add3A : i32
      %mul3A_64 = arith.constant 8 : i32
      %mul3A_65 = arith.muli %add3A_63, %mul3A_64 : i32
      %dma_start3A_66 = arith.constant 8 : i32
      %dma_start3A_67 = arith.constant 0 : i32
      %dma_start3A_68 = tpu.memref_slice %arg8[%dma_start3A_66, %dma_start3A_67] : memref<32x129xf32, #tpu.memory_space<vmem>> -> memref<8x128xf32, #tpu.memory_space<vmem>>
      %dma_start3A_69 = arith.constant 0 : i32
      %dma_start3A_70 = tpu.memref_slice %arg4[%mul3A_65, %dma_start3A_69] : memref<204800x128xf32, #tpu.memory_space<hbm>> -> memref<8x128xf32, #tpu.memory_space<hbm>>
      %dma_start3A_71 = arith.constant 0 : i32
      %dma_start3A_72 = tpu.memref_slice %arg4[%mul3A_65, %dma_start3A_71] : memref<204800x128xf32, #tpu.memory_space<hbm>> -> memref<8x128xf32, #tpu.memory_space<hbm>>
      %dma_start3A_73 = arith.constant 8 : i32
      %dma_start3A_74 = arith.constant 0 : i32
      %dma_start3A_75 = tpu.memref_slice %arg8[%dma_start3A_73, %dma_start3A_74] : memref<32x129xf32, #tpu.memory_space<vmem>> -> memref<8x128xf32, #tpu.memory_space<vmem>>
      tpu.enqueue_dma source(%dma_start3A_75 : memref<8x128xf32, #tpu.memory_space<vmem>>) target(%dma_start3A_72 : memref<8x128xf32, #tpu.memory_space<hbm>>) target_semaphore(%arg12 : memref<!tpu.dma_semaphore, #tpu.memory_space<semaphore_mem>>)
      %mul3A_76 = arith.constant 4 : i32
      %mul3A_77 = arith.muli %mul3A_13, %mul3A_76 : i32
      %add3A_78 = arith.constant 2 : i32
      %add3A_79 = arith.addi %mul3A_77, %add3A_78 : i32
      %mul3A_80 = arith.constant 32 : i32
      %mul3A_81 = arith.muli %add3A_79, %mul3A_80 : i32
      %add3A_82 = arith.addi %mul3A_81, %add3A : i32
      %mul3A_83 = arith.constant 8 : i32
      %mul3A_84 = arith.muli %add3A_82, %mul3A_83 : i32
      %dma_start3A_85 = arith.constant 16 : i32
      %dma_start3A_86 = arith.constant 0 : i32
      %dma_start3A_87 = tpu.memref_slice %arg8[%dma_start3A_85, %dma_start3A_86] : memref<32x129xf32, #tpu.memory_space<vmem>> -> memref<8x128xf32, #tpu.memory_space<vmem>>
      %dma_start3A_88 = arith.constant 0 : i32
      %dma_start3A_89 = tpu.memref_slice %arg4[%mul3A_84, %dma_start3A_88] : memref<204800x128xf32, #tpu.memory_space<hbm>> -> memref<8x128xf32, #tpu.memory_space<hbm>>
      %dma_start3A_90 = arith.constant 0 : i32
      %dma_start3A_91 = tpu.memref_slice %arg4[%mul3A_84, %dma_start3A_90] : memref<204800x128xf32, #tpu.memory_space<hbm>> -> memref<8x128xf32, #tpu.memory_space<hbm>>
      %dma_start3A_92 = arith.constant 16 : i32
      %dma_start3A_93 = arith.constant 0 : i32
      %dma_start3A_94 = tpu.memref_slice %arg8[%dma_start3A_92, %dma_start3A_93] : memref<32x129xf32, #tpu.memory_space<vmem>> -> memref<8x128xf32, #tpu.memory_space<vmem>>
      tpu.enqueue_dma source(%dma_start3A_94 : memref<8x128xf32, #tpu.memory_space<vmem>>) target(%dma_start3A_91 : memref<8x128xf32, #tpu.memory_space<hbm>>) target_semaphore(%arg12 : memref<!tpu.dma_semaphore, #tpu.memory_space<semaphore_mem>>)
      %mul3A_95 = arith.constant 4 : i32
      %mul3A_96 = arith.muli %mul3A_13, %mul3A_95 : i32
      %add3A_97 = arith.constant 3 : i32
      %add3A_98 = arith.addi %mul3A_96, %add3A_97 : i32
      %mul3A_99 = arith.constant 32 : i32
      %mul3A_100 = arith.muli %add3A_98, %mul3A_99 : i32
      %add3A_101 = arith.addi %mul3A_100, %add3A : i32
      %mul3A_102 = arith.constant 8 : i32
      %mul3A_103 = arith.muli %add3A_101, %mul3A_102 : i32
      %dma_start3A_104 = arith.constant 24 : i32
      %dma_start3A_105 = arith.constant 0 : i32
      %dma_start3A_106 = tpu.memref_slice %arg8[%dma_start3A_104, %dma_start3A_105] : memref<32x129xf32, #tpu.memory_space<vmem>> -> memref<8x128xf32, #tpu.memory_space<vmem>>
      %dma_start3A_107 = arith.constant 0 : i32
      %dma_start3A_108 = tpu.memref_slice %arg4[%mul3A_103, %dma_start3A_107] : memref<204800x128xf32, #tpu.memory_space<hbm>> -> memref<8x128xf32, #tpu.memory_space<hbm>>
      %dma_start3A_109 = arith.constant 0 : i32
      %dma_start3A_110 = tpu.memref_slice %arg4[%mul3A_103, %dma_start3A_109] : memref<204800x128xf32, #tpu.memory_space<hbm>> -> memref<8x128xf32, #tpu.memory_space<hbm>>
      %dma_start3A_111 = arith.constant 24 : i32
      %dma_start3A_112 = arith.constant 0 : i32
      %dma_start3A_113 = tpu.memref_slice %arg8[%dma_start3A_111, %dma_start3A_112] : memref<32x129xf32, #tpu.memory_space<vmem>> -> memref<8x128xf32, #tpu.memory_space<vmem>>
      tpu.enqueue_dma source(%dma_start3A_113 : memref<8x128xf32, #tpu.memory_space<vmem>>) target(%dma_start3A_110 : memref<8x128xf32, #tpu.memory_space<hbm>>) target_semaphore(%arg12 : memref<!tpu.dma_semaphore, #tpu.memory_space<semaphore_mem>>)
      %dma_wait3A_114 = arith.constant 0 : i32
      %dma_wait3A_115 = tpu.memref_slice %arg5[%add3A_20, %dma_wait3A_114] : memref<200x128xi32, #tpu.memory_space<vmem>> -> memref<1x128xi32, #tpu.memory_space<vmem>>
      %dma_wait3A_116 = tpu.memref_squeeze %dma_wait3A_115 : memref<1x128xi32, #tpu.memory_space<vmem>> -> memref<128xi32, #tpu.memory_space<vmem>>
      %dma_wait3A_117 = arith.constant 0 : i32
      %dma_wait3A_118 = arith.constant 0 : i32
      %dma_wait3A_119 = tpu.memref_slice %arg3[%dma_wait3A_117, %dma_wait3A_118] : memref<1000000x32xf32, #tpu.memory_space<hbm>> -> memref<1000000x32xf32, #tpu.memory_space<hbm>>
      tpu.wait_indirect_dma semaphore(%arg11 : memref<!tpu.dma_semaphore, #tpu.memory_space<semaphore_mem>>) src(%dma_wait3A_119 : memref<1000000x32xf32, #tpu.memory_space<hbm>>) dst(%arg7 : memref<128x32xf32, #tpu.memory_space<vmem>>)
      %scan3A_120 = arith.constant 0 : i32
      %scan3A_121 = arith.constant 0 : i32
      %scan3A_122 = arith.constant 32 : i32
      %scan3A_123 = arith.addi %scan3A_121, %scan3A_122 : i32
      %scan3A_124 = arith.constant 1 : i32
      scf.for %scan3A_284 = %scan3A_121 to %scan3A_123 step %scan3A_124  : i32 {
        %mul3A_285 = arith.constant 4 : i32
        %mul3A_286 = arith.muli %scan3A_284, %mul3A_285 : i32
        %add3A_287 = arith.constant 0 : i32
        %add3A_288 = arith.addi %mul3A_286, %add3A_287 : i32
        %broadcast_in_dim3A = vector.broadcast %add3A_288 : i32 to vector<16xi32>
        %get3A = arith.index_cast %add3A_288 : i32 to index
        %get3A_289 = arith.constant 0 : index
        %get3A_290 = tpu.vector_load %arg7[%get3A, %get3A_289] {strides = array<i32>} : memref<128x32xf32, #tpu.memory_space<vmem>>, vector<16xf32>,
        %get3A_291 = arith.index_cast %add3A_288 : i32 to index
        %get3A_292 = arith.constant 16 : index
        %get3A_293 = tpu.vector_load %arg7[%get3A_291, %get3A_292] {strides = array<i32>} : memref<128x32xf32, #tpu.memory_space<vmem>>, vector<16xf32>,
        tpu.vector_store_idx %arg9[%iota3A, %broadcast_in_dim3A], %get3A_290 : memref<32x129xf32, #tpu.memory_space<vmem>>[vector<16xi32>, vector<16xi32>], vector<16xf32>,
        tpu.vector_store_idx %arg9[%add3A_5, %broadcast_in_dim3A], %get3A_293 : memref<32x129xf32, #tpu.memory_space<vmem>>[vector<16xi32>, vector<16xi32>], vector<16xf32>,
        %mul3A_294 = arith.constant 4 : i32
        %mul3A_295 = arith.muli %scan3A_284, %mul3A_294 : i32
        %add3A_296 = arith.constant 1 : i32
        %add3A_297 = arith.addi %mul3A_295, %add3A_296 : i32
        %broadcast_in_dim3A_298 = vector.broadcast %add3A_297 : i32 to vector<16xi32>
        %get3A_299 = arith.index_cast %add3A_297 : i32 to index
        %get3A_300 = arith.constant 0 : index
        %get3A_301 = tpu.vector_load %arg7[%get3A_299, %get3A_300] {strides = array<i32>} : memref<128x32xf32, #tpu.memory_space<vmem>>, vector<16xf32>,
        %get3A_302 = arith.index_cast %add3A_297 : i32 to index
        %get3A_303 = arith.constant 16 : index
        %get3A_304 = tpu.vector_load %arg7[%get3A_302, %get3A_303] {strides = array<i32>} : memref<128x32xf32, #tpu.memory_space<vmem>>, vector<16xf32>,
        tpu.vector_store_idx %arg9[%iota3A, %broadcast_in_dim3A_298], %get3A_301 : memref<32x129xf32, #tpu.memory_space<vmem>>[vector<16xi32>, vector<16xi32>], vector<16xf32>,
        tpu.vector_store_idx %arg9[%add3A_5, %broadcast_in_dim3A_298], %get3A_304 : memref<32x129xf32, #tpu.memory_space<vmem>>[vector<16xi32>, vector<16xi32>], vector<16xf32>,
        %mul3A_305 = arith.constant 4 : i32
        %mul3A_306 = arith.muli %scan3A_284, %mul3A_305 : i32
        %add3A_307 = arith.constant 2 : i32
        %add3A_308 = arith.addi %mul3A_306, %add3A_307 : i32
        %broadcast_in_dim3A_309 = vector.broadcast %add3A_308 : i32 to vector<16xi32>
        %get3A_310 = arith.index_cast %add3A_308 : i32 to index
        %get3A_311 = arith.constant 0 : index
        %get3A_312 = tpu.vector_load %arg7[%get3A_310, %get3A_311] {strides = array<i32>} : memref<128x32xf32, #tpu.memory_space<vmem>>, vector<16xf32>,
        %get3A_313 = arith.index_cast %add3A_308 : i32 to index
        %get3A_314 = arith.constant 16 : index
        %get3A_315 = tpu.vector_load %arg7[%get3A_313, %get3A_314] {strides = array<i32>} : memref<128x32xf32, #tpu.memory_space<vmem>>, vector<16xf32>,
        tpu.vector_store_idx %arg9[%iota3A, %broadcast_in_dim3A_309], %get3A_312 : memref<32x129xf32, #tpu.memory_space<vmem>>[vector<16xi32>, vector<16xi32>], vector<16xf32>,
        tpu.vector_store_idx %arg9[%add3A_5, %broadcast_in_dim3A_309], %get3A_315 : memref<32x129xf32, #tpu.memory_space<vmem>>[vector<16xi32>, vector<16xi32>], vector<16xf32>,
        %mul3A_316 = arith.constant 4 : i32
        %mul3A_317 = arith.muli %scan3A_284, %mul3A_316 : i32
        %add3A_318 = arith.constant 3 : i32
        %add3A_319 = arith.addi %mul3A_317, %add3A_318 : i32
        %broadcast_in_dim3A_320 = vector.broadcast %add3A_319 : i32 to vector<16xi32>
        %get3A_321 = arith.index_cast %add3A_319 : i32 to index
        %get3A_322 = arith.constant 0 : index
        %get3A_323 = tpu.vector_load %arg7[%get3A_321, %get3A_322] {strides = array<i32>} : memref<128x32xf32, #tpu.memory_space<vmem>>, vector<16xf32>,
        %get3A_324 = arith.index_cast %add3A_319 : i32 to index
        %get3A_325 = arith.constant 16 : index
        %get3A_326 = tpu.vector_load %arg7[%get3A_324, %get3A_325] {strides = array<i32>} : memref<128x32xf32, #tpu.memory_space<vmem>>, vector<16xf32>,
        tpu.vector_store_idx %arg9[%iota3A, %broadcast_in_dim3A_320], %get3A_323 : memref<32x129xf32, #tpu.memory_space<vmem>>[vector<16xi32>, vector<16xi32>], vector<16xf32>,
        tpu.vector_store_idx %arg9[%add3A_5, %broadcast_in_dim3A_320], %get3A_326 : memref<32x129xf32, #tpu.memory_space<vmem>>[vector<16xi32>, vector<16xi32>], vector<16xf32>,
      }
      %scan3A_125 = arith.constant 32 : i32
      %add3A_126 = arith.constant 1 : i32
      %add3A_127 = arith.addi %mul3A_13, %add3A_126 : i32
      %mul3A_128 = arith.constant 4 : i32
      %mul3A_129 = arith.muli %add3A_127, %mul3A_128 : i32
      %add3A_130 = arith.constant 0 : i32
      %add3A_131 = arith.addi %mul3A_129, %add3A_130 : i32
      %mul3A_132 = arith.constant 32 : i32
      %mul3A_133 = arith.muli %add3A_131, %mul3A_132 : i32
      %add3A_134 = arith.addi %mul3A_133, %add3A : i32
      %mul3A_135 = arith.constant 8 : i32
      %mul3A_136 = arith.muli %add3A_134, %mul3A_135 : i32
      %dma_start3A_137 = arith.constant 0 : i32
      %dma_start3A_138 = arith.constant 0 : i32
      %dma_start3A_139 = tpu.memref_slice %arg9[%dma_start3A_137, %dma_start3A_138] : memref<32x129xf32, #tpu.memory_space<vmem>> -> memref<8x128xf32, #tpu.memory_space<vmem>>
      %dma_start3A_140 = arith.constant 0 : i32
      %dma_start3A_141 = tpu.memref_slice %arg4[%mul3A_136, %dma_start3A_140] : memref<204800x128xf32, #tpu.memory_space<hbm>> -> memref<8x128xf32, #tpu.memory_space<hbm>>
      %dma_start3A_142 = arith.constant 0 : i32
      %dma_start3A_143 = tpu.memref_slice %arg4[%mul3A_136, %dma_start3A_142] : memref<204800x128xf32, #tpu.memory_space<hbm>> -> memref<8x128xf32, #tpu.memory_space<hbm>>
      %dma_start3A_144 = arith.constant 0 : i32
      %dma_start3A_145 = arith.constant 0 : i32
      %dma_start3A_146 = tpu.memref_slice %arg9[%dma_start3A_144, %dma_start3A_145] : memref<32x129xf32, #tpu.memory_space<vmem>> -> memref<8x128xf32, #tpu.memory_space<vmem>>
      tpu.enqueue_dma source(%dma_start3A_146 : memref<8x128xf32, #tpu.memory_space<vmem>>) target(%dma_start3A_143 : memref<8x128xf32, #tpu.memory_space<hbm>>) target_semaphore(%arg13 : memref<!tpu.dma_semaphore, #tpu.memory_space<semaphore_mem>>)
      %mul3A_147 = arith.constant 4 : i32
      %mul3A_148 = arith.muli %add3A_127, %mul3A_147 : i32
      %add3A_149 = arith.constant 1 : i32
      %add3A_150 = arith.addi %mul3A_148, %add3A_149 : i32
      %mul3A_151 = arith.constant 32 : i32
      %mul3A_152 = arith.muli %add3A_150, %mul3A_151 : i32
      %add3A_153 = arith.addi %mul3A_152, %add3A : i32
      %mul3A_154 = arith.constant 8 : i32
      %mul3A_155 = arith.muli %add3A_153, %mul3A_154 : i32
      %dma_start3A_156 = arith.constant 8 : i32
      %dma_start3A_157 = arith.constant 0 : i32
      %dma_start3A_158 = tpu.memref_slice %arg9[%dma_start3A_156, %dma_start3A_157] : memref<32x129xf32, #tpu.memory_space<vmem>> -> memref<8x128xf32, #tpu.memory_space<vmem>>
      %dma_start3A_159 = arith.constant 0 : i32
      %dma_start3A_160 = tpu.memref_slice %arg4[%mul3A_155, %dma_start3A_159] : memref<204800x128xf32, #tpu.memory_space<hbm>> -> memref<8x128xf32, #tpu.memory_space<hbm>>
      %dma_start3A_161 = arith.constant 0 : i32
      %dma_start3A_162 = tpu.memref_slice %arg4[%mul3A_155, %dma_start3A_161] : memref<204800x128xf32, #tpu.memory_space<hbm>> -> memref<8x128xf32, #tpu.memory_space<hbm>>
      %dma_start3A_163 = arith.constant 8 : i32
      %dma_start3A_164 = arith.constant 0 : i32
      %dma_start3A_165 = tpu.memref_slice %arg9[%dma_start3A_163, %dma_start3A_164] : memref<32x129xf32, #tpu.memory_space<vmem>> -> memref<8x128xf32, #tpu.memory_space<vmem>>
      tpu.enqueue_dma source(%dma_start3A_165 : memref<8x128xf32, #tpu.memory_space<vmem>>) target(%dma_start3A_162 : memref<8x128xf32, #tpu.memory_space<hbm>>) target_semaphore(%arg13 : memref<!tpu.dma_semaphore, #tpu.memory_space<semaphore_mem>>)
      %mul3A_166 = arith.constant 4 : i32
      %mul3A_167 = arith.muli %add3A_127, %mul3A_166 : i32
      %add3A_168 = arith.constant 2 : i32
      %add3A_169 = arith.addi %mul3A_167, %add3A_168 : i32
      %mul3A_170 = arith.constant 32 : i32
      %mul3A_171 = arith.muli %add3A_169, %mul3A_170 : i32
      %add3A_172 = arith.addi %mul3A_171, %add3A : i32
      %mul3A_173 = arith.constant 8 : i32
      %mul3A_174 = arith.muli %add3A_172, %mul3A_173 : i32
      %dma_start3A_175 = arith.constant 16 : i32
      %dma_start3A_176 = arith.constant 0 : i32
      %dma_start3A_177 = tpu.memref_slice %arg9[%dma_start3A_175, %dma_start3A_176] : memref<32x129xf32, #tpu.memory_space<vmem>> -> memref<8x128xf32, #tpu.memory_space<vmem>>
      %dma_start3A_178 = arith.constant 0 : i32
      %dma_start3A_179 = tpu.memref_slice %arg4[%mul3A_174, %dma_start3A_178] : memref<204800x128xf32, #tpu.memory_space<hbm>> -> memref<8x128xf32, #tpu.memory_space<hbm>>
      %dma_start3A_180 = arith.constant 0 : i32
      %dma_start3A_181 = tpu.memref_slice %arg4[%mul3A_174, %dma_start3A_180] : memref<204800x128xf32, #tpu.memory_space<hbm>> -> memref<8x128xf32, #tpu.memory_space<hbm>>
      %dma_start3A_182 = arith.constant 16 : i32
      %dma_start3A_183 = arith.constant 0 : i32
      %dma_start3A_184 = tpu.memref_slice %arg9[%dma_start3A_182, %dma_start3A_183] : memref<32x129xf32, #tpu.memory_space<vmem>> -> memref<8x128xf32, #tpu.memory_space<vmem>>
      tpu.enqueue_dma source(%dma_start3A_184 : memref<8x128xf32, #tpu.memory_space<vmem>>) target(%dma_start3A_181 : memref<8x128xf32, #tpu.memory_space<hbm>>) target_semaphore(%arg13 : memref<!tpu.dma_semaphore, #tpu.memory_space<semaphore_mem>>)
      %mul3A_185 = arith.constant 4 : i32
      %mul3A_186 = arith.muli %add3A_127, %mul3A_185 : i32
      %add3A_187 = arith.constant 3 : i32
      %add3A_188 = arith.addi %mul3A_186, %add3A_187 : i32
      %mul3A_189 = arith.constant 32 : i32
      %mul3A_190 = arith.muli %add3A_188, %mul3A_189 : i32
      %add3A_191 = arith.addi %mul3A_190, %add3A : i32
      %mul3A_192 = arith.constant 8 : i32
      %mul3A_193 = arith.muli %add3A_191, %mul3A_192 : i32
      %dma_start3A_194 = arith.constant 24 : i32
      %dma_start3A_195 = arith.constant 0 : i32
      %dma_start3A_196 = tpu.memref_slice %arg9[%dma_start3A_194, %dma_start3A_195] : memref<32x129xf32, #tpu.memory_space<vmem>> -> memref<8x128xf32, #tpu.memory_space<vmem>>
      %dma_start3A_197 = arith.constant 0 : i32
      %dma_start3A_198 = tpu.memref_slice %arg4[%mul3A_193, %dma_start3A_197] : memref<204800x128xf32, #tpu.memory_space<hbm>> -> memref<8x128xf32, #tpu.memory_space<hbm>>
      %dma_start3A_199 = arith.constant 0 : i32
      %dma_start3A_200 = tpu.memref_slice %arg4[%mul3A_193, %dma_start3A_199] : memref<204800x128xf32, #tpu.memory_space<hbm>> -> memref<8x128xf32, #tpu.memory_space<hbm>>
      %dma_start3A_201 = arith.constant 24 : i32
      %dma_start3A_202 = arith.constant 0 : i32
      %dma_start3A_203 = tpu.memref_slice %arg9[%dma_start3A_201, %dma_start3A_202] : memref<32x129xf32, #tpu.memory_space<vmem>> -> memref<8x128xf32, #tpu.memory_space<vmem>>
      tpu.enqueue_dma source(%dma_start3A_203 : memref<8x128xf32, #tpu.memory_space<vmem>>) target(%dma_start3A_200 : memref<8x128xf32, #tpu.memory_space<hbm>>) target_semaphore(%arg13 : memref<!tpu.dma_semaphore, #tpu.memory_space<semaphore_mem>>)
      %dma_wait3A_204 = arith.constant 0 : i32
      %dma_wait3A_205 = arith.constant 0 : i32
      %dma_wait3A_206 = tpu.memref_slice %arg8[%dma_wait3A_204, %dma_wait3A_205] : memref<32x129xf32, #tpu.memory_space<vmem>> -> memref<8x128xf32, #tpu.memory_space<vmem>>
      %dma_wait3A_207 = arith.constant 0 : i32
      %dma_wait3A_208 = tpu.memref_slice %arg4[%mul3A_46, %dma_wait3A_207] : memref<204800x128xf32, #tpu.memory_space<hbm>> -> memref<8x128xf32, #tpu.memory_space<hbm>>
      %dma_wait3A_209 = arith.constant 0 : i32
      %dma_wait3A_210 = tpu.memref_slice %arg4[%mul3A_46, %dma_wait3A_209] : memref<204800x128xf32, #tpu.memory_space<hbm>> -> memref<8x128xf32, #tpu.memory_space<hbm>>
      %dma_wait3A_211 = arith.constant 0 : i32
      %dma_wait3A_212 = arith.constant 0 : i32
      %dma_wait3A_213 = tpu.memref_slice %arg8[%dma_wait3A_211, %dma_wait3A_212] : memref<32x129xf32, #tpu.memory_space<vmem>> -> memref<8x128xf32, #tpu.memory_space<vmem>>
      tpu.wait_dma2 semaphore(%arg12 : memref<!tpu.dma_semaphore, #tpu.memory_space<semaphore_mem>>) src(%dma_wait3A_213 : memref<8x128xf32, #tpu.memory_space<vmem>>) dst(%dma_wait3A_210 : memref<8x128xf32, #tpu.memory_space<hbm>>)
      %dma_wait3A_214 = arith.constant 8 : i32
      %dma_wait3A_215 = arith.constant 0 : i32
      %dma_wait3A_216 = tpu.memref_slice %arg8[%dma_wait3A_214, %dma_wait3A_215] : memref<32x129xf32, #tpu.memory_space<vmem>> -> memref<8x128xf32, #tpu.memory_space<vmem>>
      %dma_wait3A_217 = arith.constant 0 : i32
      %dma_wait3A_218 = tpu.memref_slice %arg4[%mul3A_65, %dma_wait3A_217] : memref<204800x128xf32, #tpu.memory_space<hbm>> -> memref<8x128xf32, #tpu.memory_space<hbm>>
      %dma_wait3A_219 = arith.constant 0 : i32
      %dma_wait3A_220 = tpu.memref_slice %arg4[%mul3A_65, %dma_wait3A_219] : memref<204800x128xf32, #tpu.memory_space<hbm>> -> memref<8x128xf32, #tpu.memory_space<hbm>>
      %dma_wait3A_221 = arith.constant 8 : i32
      %dma_wait3A_222 = arith.constant 0 : i32
      %dma_wait3A_223 = tpu.memref_slice %arg8[%dma_wait3A_221, %dma_wait3A_222] : memref<32x129xf32, #tpu.memory_space<vmem>> -> memref<8x128xf32, #tpu.memory_space<vmem>>
      tpu.wait_dma2 semaphore(%arg12 : memref<!tpu.dma_semaphore, #tpu.memory_space<semaphore_mem>>) src(%dma_wait3A_223 : memref<8x128xf32, #tpu.memory_space<vmem>>) dst(%dma_wait3A_220 : memref<8x128xf32, #tpu.memory_space<hbm>>)
      %dma_wait3A_224 = arith.constant 16 : i32
      %dma_wait3A_225 = arith.constant 0 : i32
      %dma_wait3A_226 = tpu.memref_slice %arg8[%dma_wait3A_224, %dma_wait3A_225] : memref<32x129xf32, #tpu.memory_space<vmem>> -> memref<8x128xf32, #tpu.memory_space<vmem>>
      %dma_wait3A_227 = arith.constant 0 : i32
      %dma_wait3A_228 = tpu.memref_slice %arg4[%mul3A_84, %dma_wait3A_227] : memref<204800x128xf32, #tpu.memory_space<hbm>> -> memref<8x128xf32, #tpu.memory_space<hbm>>
      %dma_wait3A_229 = arith.constant 0 : i32
      %dma_wait3A_230 = tpu.memref_slice %arg4[%mul3A_84, %dma_wait3A_229] : memref<204800x128xf32, #tpu.memory_space<hbm>> -> memref<8x128xf32, #tpu.memory_space<hbm>>
      %dma_wait3A_231 = arith.constant 16 : i32
      %dma_wait3A_232 = arith.constant 0 : i32
      %dma_wait3A_233 = tpu.memref_slice %arg8[%dma_wait3A_231, %dma_wait3A_232] : memref<32x129xf32, #tpu.memory_space<vmem>> -> memref<8x128xf32, #tpu.memory_space<vmem>>
      tpu.wait_dma2 semaphore(%arg12 : memref<!tpu.dma_semaphore, #tpu.memory_space<semaphore_mem>>) src(%dma_wait3A_233 : memref<8x128xf32, #tpu.memory_space<vmem>>) dst(%dma_wait3A_230 : memref<8x128xf32, #tpu.memory_space<hbm>>)
      %dma_wait3A_234 = arith.constant 24 : i32
      %dma_wait3A_235 = arith.constant 0 : i32
      %dma_wait3A_236 = tpu.memref_slice %arg8[%dma_wait3A_234, %dma_wait3A_235] : memref<32x129xf32, #tpu.memory_space<vmem>> -> memref<8x128xf32, #tpu.memory_space<vmem>>
      %dma_wait3A_237 = arith.constant 0 : i32
      %dma_wait3A_238 = tpu.memref_slice %arg4[%mul3A_103, %dma_wait3A_237] : memref<204800x128xf32, #tpu.memory_space<hbm>> -> memref<8x128xf32, #tpu.memory_space<hbm>>
      %dma_wait3A_239 = arith.constant 0 : i32
      %dma_wait3A_240 = tpu.memref_slice %arg4[%mul3A_103, %dma_wait3A_239] : memref<204800x128xf32, #tpu.memory_space<hbm>> -> memref<8x128xf32, #tpu.memory_space<hbm>>
      %dma_wait3A_241 = arith.constant 24 : i32
      %dma_wait3A_242 = arith.constant 0 : i32
      %dma_wait3A_243 = tpu.memref_slice %arg8[%dma_wait3A_241, %dma_wait3A_242] : memref<32x129xf32, #tpu.memory_space<vmem>> -> memref<8x128xf32, #tpu.memory_space<vmem>>
      tpu.wait_dma2 semaphore(%arg12 : memref<!tpu.dma_semaphore, #tpu.memory_space<semaphore_mem>>) src(%dma_wait3A_243 : memref<8x128xf32, #tpu.memory_space<vmem>>) dst(%dma_wait3A_240 : memref<8x128xf32, #tpu.memory_space<hbm>>)
      %dma_wait3A_244 = arith.constant 0 : i32
      %dma_wait3A_245 = arith.constant 0 : i32
      %dma_wait3A_246 = tpu.memref_slice %arg9[%dma_wait3A_244, %dma_wait3A_245] : memref<32x129xf32, #tpu.memory_space<vmem>> -> memref<8x128xf32, #tpu.memory_space<vmem>>
      %dma_wait3A_247 = arith.constant 0 : i32
      %dma_wait3A_248 = tpu.memref_slice %arg4[%mul3A_136, %dma_wait3A_247] : memref<204800x128xf32, #tpu.memory_space<hbm>> -> memref<8x128xf32, #tpu.memory_space<hbm>>
      %dma_wait3A_249 = arith.constant 0 : i32
      %dma_wait3A_250 = tpu.memref_slice %arg4[%mul3A_136, %dma_wait3A_249] : memref<204800x128xf32, #tpu.memory_space<hbm>> -> memref<8x128xf32, #tpu.memory_space<hbm>>
      %dma_wait3A_251 = arith.constant 0 : i32
      %dma_wait3A_252 = arith.constant 0 : i32
      %dma_wait3A_253 = tpu.memref_slice %arg9[%dma_wait3A_251, %dma_wait3A_252] : memref<32x129xf32, #tpu.memory_space<vmem>> -> memref<8x128xf32, #tpu.memory_space<vmem>>
      tpu.wait_dma2 semaphore(%arg13 : memref<!tpu.dma_semaphore, #tpu.memory_space<semaphore_mem>>) src(%dma_wait3A_253 : memref<8x128xf32, #tpu.memory_space<vmem>>) dst(%dma_wait3A_250 : memref<8x128xf32, #tpu.memory_space<hbm>>)
      %dma_wait3A_254 = arith.constant 8 : i32
      %dma_wait3A_255 = arith.constant 0 : i32
      %dma_wait3A_256 = tpu.memref_slice %arg9[%dma_wait3A_254, %dma_wait3A_255] : memref<32x129xf32, #tpu.memory_space<vmem>> -> memref<8x128xf32, #tpu.memory_space<vmem>>
      %dma_wait3A_257 = arith.constant 0 : i32
      %dma_wait3A_258 = tpu.memref_slice %arg4[%mul3A_155, %dma_wait3A_257] : memref<204800x128xf32, #tpu.memory_space<hbm>> -> memref<8x128xf32, #tpu.memory_space<hbm>>
      %dma_wait3A_259 = arith.constant 0 : i32
      %dma_wait3A_260 = tpu.memref_slice %arg4[%mul3A_155, %dma_wait3A_259] : memref<204800x128xf32, #tpu.memory_space<hbm>> -> memref<8x128xf32, #tpu.memory_space<hbm>>
      %dma_wait3A_261 = arith.constant 8 : i32
      %dma_wait3A_262 = arith.constant 0 : i32
      %dma_wait3A_263 = tpu.memref_slice %arg9[%dma_wait3A_261, %dma_wait3A_262] : memref<32x129xf32, #tpu.memory_space<vmem>> -> memref<8x128xf32, #tpu.memory_space<vmem>>
      tpu.wait_dma2 semaphore(%arg13 : memref<!tpu.dma_semaphore, #tpu.memory_space<semaphore_mem>>) src(%dma_wait3A_263 : memref<8x128xf32, #tpu.memory_space<vmem>>) dst(%dma_wait3A_260 : memref<8x128xf32, #tpu.memory_space<hbm>>)
      %dma_wait3A_264 = arith.constant 16 : i32
      %dma_wait3A_265 = arith.constant 0 : i32
      %dma_wait3A_266 = tpu.memref_slice %arg9[%dma_wait3A_264, %dma_wait3A_265] : memref<32x129xf32, #tpu.memory_space<vmem>> -> memref<8x128xf32, #tpu.memory_space<vmem>>
      %dma_wait3A_267 = arith.constant 0 : i32
      %dma_wait3A_268 = tpu.memref_slice %arg4[%mul3A_174, %dma_wait3A_267] : memref<204800x128xf32, #tpu.memory_space<hbm>> -> memref<8x128xf32, #tpu.memory_space<hbm>>
      %dma_wait3A_269 = arith.constant 0 : i32
      %dma_wait3A_270 = tpu.memref_slice %arg4[%mul3A_174, %dma_wait3A_269] : memref<204800x128xf32, #tpu.memory_space<hbm>> -> memref<8x128xf32, #tpu.memory_space<hbm>>
      %dma_wait3A_271 = arith.constant 16 : i32
      %dma_wait3A_272 = arith.constant 0 : i32
      %dma_wait3A_273 = tpu.memref_slice %arg9[%dma_wait3A_271, %dma_wait3A_272] : memref<32x129xf32, #tpu.memory_space<vmem>> -> memref<8x128xf32, #tpu.memory_space<vmem>>
      tpu.wait_dma2 semaphore(%arg13 : memref<!tpu.dma_semaphore, #tpu.memory_space<semaphore_mem>>) src(%dma_wait3A_273 : memref<8x128xf32, #tpu.memory_space<vmem>>) dst(%dma_wait3A_270 : memref<8x128xf32, #tpu.memory_space<hbm>>)
      %dma_wait3A_274 = arith.constant 24 : i32
      %dma_wait3A_275 = arith.constant 0 : i32
      %dma_wait3A_276 = tpu.memref_slice %arg9[%dma_wait3A_274, %dma_wait3A_275] : memref<32x129xf32, #tpu.memory_space<vmem>> -> memref<8x128xf32, #tpu.memory_space<vmem>>
      %dma_wait3A_277 = arith.constant 0 : i32
      %dma_wait3A_278 = tpu.memref_slice %arg4[%mul3A_193, %dma_wait3A_277] : memref<204800x128xf32, #tpu.memory_space<hbm>> -> memref<8x128xf32, #tpu.memory_space<hbm>>
      %dma_wait3A_279 = arith.constant 0 : i32
      %dma_wait3A_280 = tpu.memref_slice %arg4[%mul3A_193, %dma_wait3A_279] : memref<204800x128xf32, #tpu.memory_space<hbm>> -> memref<8x128xf32, #tpu.memory_space<hbm>>
      %dma_wait3A_281 = arith.constant 24 : i32
      %dma_wait3A_282 = arith.constant 0 : i32
      %dma_wait3A_283 = tpu.memref_slice %arg9[%dma_wait3A_281, %dma_wait3A_282] : memref<32x129xf32, #tpu.memory_space<vmem>> -> memref<8x128xf32, #tpu.memory_space<vmem>>
      tpu.wait_dma2 semaphore(%arg13 : memref<!tpu.dma_semaphore, #tpu.memory_space<semaphore_mem>>) src(%dma_wait3A_283 : memref<8x128xf32, #tpu.memory_space<vmem>>) dst(%dma_wait3A_280 : memref<8x128xf32, #tpu.memory_space<hbm>>)
    }
    %scan3A_10 = arith.constant 100 : i32
    return
  }
}

</mosaic_0001>

<sc_bundles>
// kernel: kernel.3.cloned.1.call-start
scs
__scs_entry_jumppad:
0x0: {  	(pc) =	sbr.rel $0x88, $3  }
0x1: {  	(tag) =	ssettag $0x0;
	lr =	simm.s32 $0x1  }
0x2: {  	[smem:$0x3F9F] =	sst lr;
	_ =	strace $0xD0000000  }
0x3: {  	_ = 	snop  }
0x4: {  	_ = 	snop  }
0x5: {  	_ = 	snop  }
0x6: {  	_ = 	snop  }
0x7: {  	_ = 	snop  }
__scs_overlays_trampoline_lowered:
0x8: {  	[smem:$0x3FAE] =	sst s0  }
0x9: {  	[smem:$0x3FAF] =	sst s1  }
0xa: {  	[smem:$0x3FB0] =	sst s2  }
0xb: {  	[smem:$0x3FB1] =	sst s3  }
0xc: {  	[smem:$0x3FB2] =	sst s4  }
0xd: {  	[smem:$0x3FB3] =	sst s5  }
0xe: {  	[smem:$0x3FB4] =	sst s6  }
0xf: {  	[smem:$0x3FB5] =	sst s7  }
0x10: {  	[smem:$0x3FB6] =	sst s8  }
0x11: {  	[smem:$0x3FB7] =	sst s9;
	s0 =	simm.s32 @!p0 $0x0  }
0x12: {  	s1 =	sld [smem:$0x3F9D];
	s0 =	simm.s32 @p0 $0x1  }
0x13: {  	[smem:$0x3FB8] =	sst s0;
	s0 =	simm.s32 @!p1 $0x0  }
0x14: {  	s2 =	sld [smem:$0x3F9C];
	s0 =	simm.s32 @p1 $0x1  }
0x15: {  	[smem:$0x3FB9] =	sst s0;
	s0 =	simm.s32 @!p2 $0x0  }
0x16: {  	s3 =	sld [smem:$0x3FDB];
	s0 =	simm.s32 @p2 $0x1  }
0x17: {  	s4 =	simm.s32 $0x1BF5;
	[smem:$0x3FBB] =	sst s0  }
0x18: {  	s0 =	sld [smem:$0x3F9E];
	_ =	swait.ge [sflag:s4], $0x0  }
0x19: {  	s7 =	sld [smem:$0x3F9F]  }
0x1a: {  	s8 =	sadd.s32 $0xFFFFE003, lr  }
0x1b: {  	s9 =	sadd.s32 $0xFFFFFEF7, lr;
	s5 =	simm.s32 $0xFFFFFFFF;
	p2 =	slt.u32 s8, $0xFFFFF086  }
0x1c: {  	p1 =	slt.u32 s9, $0xF7A;
	s5 =	simm.s32 @!p2 $0x0  }
0x1d: {  	s5 =	simm.s32 @p1 $0x1;
	p0 =	seq.s32 s7, s2  }
0x1e: {  	s7 =	smul.u32 @!p0 $0xF7A, s2;
	p2 =	seq.s32 @!p0 s5, $0x0  }
0x1f: {  	s9 =	smul.u32 $0xF7A, s1;
	s8 =	simm.s32 @!p0 $0x1BF5;
	p2 =	por !p2, p0  }
0x20: {  	[sflag:s8] =	ssyncset.s32 @!p0 $0xFFFFF086;
	s6 =	sadd.s32 @!p0 s3, s7;
	s7 =	simm.s32 @!p0 $0x108  }
0x21: {  	s3 =	sadd.s32 s3, s9;
	s6 =	sadd.s32 @!p0 $0x88, s6;
	s7 =	simm.s32 @p2 $0x1082  }
0x22: {  	[simem:s7], [sflag:s8] =	dma.local @!p0 [hbm:s6], $0xF7A  }
0x23: {  	s9 =	sor.u32 $0xD0000000, s2;
	s6 =	simm.s32 $0x108;
	_ =	swait.ge @!p0 [sflag:s8], $0x0  }
0x24: {  	s3 =	sadd.s32 $0x88, s3;
	s6 =	simm.s32 @!p1 $0x1082;
	[sflag:s4] =	ssyncset.s32 $0xFFFFF086  }
0x25: {  	[simem:s6], [sflag:s4] =	dma.local [hbm:s3], $0xF7A  }
0x26: {  	[smem:$0x3F9F] =	sst s1;
	(tag) =	ssettag s2;
	_ =	strace s9  }
0x27: {  	s1 =	sld [smem:$0x3FAF]  }
0x28: {  	s2 =	sld [smem:$0x3FB0]  }
0x29: {  	s4 =	sld [smem:$0x3FB2]  }
0x2a: {  	p0 =	seq.s32 s5, $0x0;
	s5 =	sld [smem:$0x3FB3]  }
0x2b: {  	s6 =	sld [smem:$0x3FB4]  }
0x2c: {  	s7 =	sld [smem:$0x3FB5]  }
0x2d: {  	s3 =	simm.s32 $0x108;
	s8 =	sld [smem:$0x3FB6]  }
0x2e: {  	s3 =	simm.s32 @!p0 $0x1082;
	s9 =	sld [smem:$0x3FB7]  }
0x2f: {  	lr =	sadd.s32 s0, s3;
	s0 =	sld [smem:$0x3FAE]  }
0x30: {  	s3 =	sld [smem:$0x3FB1]  }
0x31: {  	[smem:$0x3FBA] =	sst s10  }
0x32: {  	s10 =	sld [smem:$0x3FB8];
	_ =	sdelay $0x3  }
0x33: {  	p0 =	seq.s32 s10, $0x1;
	s10 =	sld [smem:$0x3FBA];
	_ =	sdelay $0x3  }
0x34: {  	[smem:$0x3FBA] =	sst s10  }
0x35: {  	s10 =	sld [smem:$0x3FB9];
	_ =	sdelay $0x3  }
0x36: {  	p1 =	seq.s32 s10, $0x1;
	s10 =	sld [smem:$0x3FBA];
	_ =	sdelay $0x3  }
0x37: {  	[smem:$0x3FBA] =	sst s10  }
0x38: {  	s10 =	sld [smem:$0x3FBB]  }
0x39: {  	_ = 	snop;
	(pc) =	sbr.ind lr, $3  }
0x3a: {  	_ = 	snop  }
0x3b: {  	_ = 	snop  }
0x3c: {  	p2 =	seq.s32 s10, $0x1;
	s10 =	sld [smem:$0x3FBA]  }
0x3d: {  	_ =	shalt  }
0x3e: {  	_ =	shalt  }
0x3f: {  	_ =	shalt  }
0x40: {  	_ =	shalt  }
0x41: {  	_ =	shalt  }
0x42: {  	_ =	shalt  }
0x43: {  	_ =	shalt  }
0x44: {  	_ =	shalt  }
0x45: {  	_ =	shalt  }
0x46: {  	_ =	shalt  }
0x47: {  	_ =	shalt  }
0x48: {  	_ =	shalt  }
0x49: {  	_ =	shalt  }
0x4a: {  	_ =	shalt  }
0x4b: {  	_ =	shalt  }
0x4c: {  	_ =	shalt  }
0x4d: {  	_ =	shalt  }
0x4e: {  	_ =	shalt  }
0x4f: {  	_ =	shalt  }
0x50: {  	_ =	shalt  }
0x51: {  	_ =	shalt  }
0x52: {  	_ =	shalt  }
0x53: {  	_ =	shalt  }
0x54: {  	_ =	shalt  }
0x55: {  	_ =	shalt  }
0x56: {  	_ =	shalt  }
0x57: {  	_ =	shalt  }
0x58: {  	_ =	shalt  }
0x59: {  	_ =	shalt  }
0x5a: {  	_ =	shalt  }
0x5b: {  	_ =	shalt  }
0x5c: {  	_ =	shalt  }
0x5d: {  	_ =	shalt  }
0x5e: {  	_ =	shalt  }
0x5f: {  	_ =	shalt  }
0x60: {  	_ =	shalt  }
0x61: {  	_ =	shalt  }
0x62: {  	_ =	shalt  }
0x63: {  	_ =	shalt  }
0x64: {  	_ =	shalt  }
0x65: {  	_ =	shalt  }
0x66: {  	_ =	shalt  }
0x67: {  	_ =	shalt  }
0x68: {  	_ =	shalt  }
0x69: {  	_ =	shalt  }
0x6a: {  	_ =	shalt  }
0x6b: {  	_ =	shalt  }
0x6c: {  	_ =	shalt  }
0x6d: {  	_ =	shalt  }
0x6e: {  	_ =	shalt  }
0x6f: {  	_ =	shalt  }
0x70: {  	_ =	shalt  }
0x71: {  	_ =	shalt  }
0x72: {  	_ =	shalt  }
0x73: {  	_ =	shalt  }
0x74: {  	_ =	shalt  }
0x75: {  	_ =	shalt  }
0x76: {  	_ =	shalt  }
0x77: {  	_ =	shalt  }
0x78: {  	_ =	shalt  }
0x79: {  	_ =	shalt  }
0x7a: {  	_ =	shalt  }
0x7b: {  	_ =	shalt  }
0x7c: {  	_ =	shalt  }
0x7d: {  	_ =	shalt  }
0x7e: {  	_ =	shalt  }
0x7f: {  	_ =	shalt  }
0x80: {  	_ =	shalt  }
0x81: {  	_ =	shalt  }
0x82: {  	_ =	shalt  }
0x83: {  	_ =	shalt  }
0x84: {  	_ =	shalt  }
0x85: {  	_ =	shalt  }
0x86: {  	_ =	shalt  }
0x87: {  	_ =	shalt  }
.Lfunc_end0:
.L_simem_size_0:
called_computation_lowered:
.L_overlay_start_0:
0x88: {  	s2 =	sld [smem:$0x3FD9]  }
0x89: {  	s3 =	sld [smem:$0x3FFE];
	_ =	sdelay $0x1  }
0x8a: {  	s1 =	srdreg.scid  }
0x8b: {  	s0 =	sand.u32 $0x1, s1  }
0x8c: {  	s17 =	sshll.u32 s0, $0xA;
	s2 =	sadd.s32 s3, s2  }
0x8d: {  	s2 =	sadd.s32 s2, s17  }
0x8e: {  	[smem:$0x3FC6] =	sst s2  }
0x8f: {  	_ = 	snop  }
0x90: {  	s2 =	sld [smem:$0x3FD0];
	(tm) =	ssettm $0x1  }
0x91: {  	s18 =	sld [smem:$0x3FFB];
	_ =	sdelay $0x3  }
0x92: {  	_ =	strace s18  }
0x93: {  	s3 =	sld [smem:$0x3FFC];
	_ =	sdelay $0x3  }
0x94: {  	_ =	strace s3  }
0x95: {  	s3 =	sld [smem:$0x3FFD];
	_ =	sdelay $0x3  }
0x96: {  	_ =	strace s3  }
0x97: {  	_ =	strace $0x8FFFFFFF  }
0x98: {  	s19 =	sld [smem:$0x3FDB];
	_ =	sdelay $0x1  }
0x99: {  	s4 =	simm.s32 $_scs_section_size  }
0x9a: {  	s5 =	simm.s32 $_size__tile_overlayer_lowered;
	s6 =	simm.s32 $_tile_overlayer_lowered  }
0x9b: {  	s22 =	simm.s32 $0x1BFF;
	s21 =	sshll.u32 s6, $0x1;
	s3 =	sadd.s32 s4, s19  }
0x9c: {  	s7 =	simm.s32 $0x0;
	s20 =	sshll.u32 s5, $0x1;
	s5 =	sadd.s32 s21, s3  }
0x9d: {  	[timem:s7], [sflag:s22] =	dma.local [hbm:s5], s20  }
0x9e: {  	_ =	swait.ge [sflag:s22], s20  }
0x9f: {  	s4 =	ssub.s32 $0x0, s20;
	[sflag:s22] =	ssyncset.done $0x0  }
0xa0: {  	[sflag:s22] =	ssyncadd.s32 s4;
	_ =	sdelay $0x1  }
0xa1: {  	s23 =	simm.s32 $0x1B8B  }
0xa2: {  	_ =	swait.ge [sflag:s23], $0x1  }
0xa3: {  	[sflag:s23] =	ssyncset.done $0x0  }
0xa4: {  	s25 =	simm.s32 $0x1B8E;
	s24 =	sld [smem:$0x3FFE];
	[sflag:s23] =	ssyncadd.s32 $0xFFFFFFFF  }
0xa5: {  	s26 =	simm.s32 $execute0_lowered;
	[smem:$0x3FD2] =	sst s25  }
0xa6: {  	s5 =	sshll.u32 s26, $0x1;
	_ =	strace $0x80000046;
	[dreg:$0x1] =	wrdreg $0xFFFFFFFF  }
0xa7: {  	s28 =	simm.s32 $_size_execute0_lowered;
	s3 =	sadd.s32 s3, s5;
	[dreg:$0x0] =	wrdreg $0x0  }
0xa8: {  	s5 =	sshll.u32 s28, $0x1;
	[dreg:$0x2] =	wrdreg s3  }
0xa9: {  	[dreg:$0x3] =	wrdreg s5  }
0xaa: {  	[dreg:$0x4] =	wrdreg $0xC0  }
0xab: {  	_ =	task [dreg:s7], $0x5FFFF  }
0xac: {  	[dreg:$0x1] =	wrdreg $0xFFFFFFFF  }
0xad: {  	[dreg:$0x0] =	wrdreg $0x60  }
0xae: {  	[dreg:$0x2] =	wrdreg s24  }
0xaf: {  	[dreg:$0x3] =	wrdreg s2  }
0xb0: {  	[dreg:$0x4] =	wrdreg $0x9  }
0xb1: {  	_ =	task.clear_ibuf [dreg:s7], $0x5FFFF;
	_ =	strace $0x90000046  }
0xb2: {  	s29 =	simm.s32 $0x9;
	_ =	strace $0x80000048  }
0xb3: {  	_ =	swait.ge [sflag:s29], $0x1  }
0xb4: {  	[sflag:s29] =	ssyncadd.s32 $0xFFFFFFFF  }
0xb5: {  	_ =	strace $0x90000048  }
0xb6: {  	_ =	sfence  }
0xb7: {  	s30 =	sld [smem:$0x0];
	_ =	sdelay $0x2  }
0xb8: {  	s31 =	sshll.u32 s1, $0xD;
	s1 =	sshrl.u32 s1, $0x2  }
0xb9: {  	s3 =	sand.u32 $0x4000, s31;
	s1 =	sadd.s32 s1, s30  }
0xba: {  	s0 =	sor.u32 s3, s0;
	s1 =	sshll.u32 s1, $0x11  }
0xbb: {  	s0 =	sor.u32 s1, s0  }
0xbc: {  	s0 =	sadd.s32 $0x8F2B, s0  }
0xbd: {  	[sflag:s0] =	ssyncadd.remote.s32 $0x1  }
0xbe: {  	_ =	sfence.sel $0xFFFF  }
0xbf: {  	[dreg:$0x0] =	wrdreg $0xFFFFFFFF;
	(pc) =	sbr.abs _section_cstart, $3  }
0xc0: {  	[dreg:$0x1] =	wrdreg $0xFFFFFFFF  }
0xc1: {  	_ =	task.clear_ibuf [dreg:s7], $0x2FFFF;
	_ =	strace $0x9FFFFFFF  }
0xc2: {  	(tm) =	ssettm $0x7FFFFFFF  }
0xc3: {  	_ =	shalt  }
tec
execute0_lowered:
.L_overlay_start_1:
0x0: {  	(tag) =	ssettag $0x1  }
0x1: {  	s0 =	rddreg [dreg:$0x0]  }
0x2: {  	s2 =	rddreg [dreg:$0x1]  }
0x3: {  	s1 =	srdreg.scid;
	s4 =	stileid.u32  }
0x4: {  	s3 =	simm.s32 $0x0;
	s12 =	simm.s32 $0x80;
	s17 =	simm.s32 $0x1  }
0x5: {  	s18 =	simm.s32 $0x8400;
	s31 =	simm.s32 $0x2;
	s15 =	simm.s32 $0xA1C0  }
0x6: {  	s16 =	simm.s32 $0xA248;
	s19 =	simm.s32 $0xA2D0;
	s20 =	simm.s32 $0xA358  }
0x7: {  	s21 =	simm.s32 $0xA3E0;
	s22 =	simm.s32 $0xA468;
	s23 =	simm.s32 $0xA4F0  }
0x8: {  	s24 =	simm.s32 $0xA578;
	s25 =	simm.s32 $0x3;
	s26 =	simm.s32 $0x4  }
0x9: {  	s1 =	sand.u32 $0x1, s1;
	s4 =	sshll.u32 s4, $0x1;
	[smem:$0x7FF] =	sst s3  }
0xa: {  	s8 =	sadd.s32 $0x1000, s2;
	s9 =	sadd.s32 $0x2000, s2;
	s4 =	sor.u32 s1, s4  }
0xb: {  	s10 =	sadd.s32 $0x3000, s2;
	s1 =	ssub.s32 $0x2, s1;
	s5 =	sshll.u32 s4, $0x4  }
0xc: {  	v0 =	vlaneseq.u32;
	_ =	strace $0x80000047;
	s29 =	sshrl.u32 s1, $0x1;
	s6 =	sadd.s32 s5, s0  }
0xd: {  	v0 =	vmul.u32 $0x88, v0;
	s5 =	sadd.s32 $0xF42A00, s0;
	s0 =	ssub.s32 s1, s29;
	s30 =	sadd.s32 $0x600, s6  }
0xe: {  	s7 =	sshll.u32 s4, $0x7;
	s0 =	smax.u32 s0, $0x1;
	[dreg:$0x3] =	wrdreg s30  }
0xf: {  	v1 =	vadd.s32 $0x880, v0;
	s6 =	simm.s32 $0x0;
	[dreg:$0x4] =	wrdreg s0;
	s0 =	simm.s32 $0x9500  }
.LBB2_1:
0x10: {  	[dreg:$0x5] =	wrdreg s6  }
0x11: {  	s1 =	rddreg [dreg:$0x3];
	s29 =	simm.s32 $0x1000;
	s30 =	simm.s32 $0x5  }
0x12: {  	[tilespmem:s3], [sflag:$0x5] =	stream.strided.gather [hbm4b:s1+s12], $0x6400, s29, s12, $0x38;
	[tilespmem:$0xA600] =	vst v63  }
0x13: {  	_ =	swait.ge [sflag:s30], $0x6400  }
0x14: {  	[sflag:s30] =	ssyncset.done $0x0  }
0x15: {  	s28 =	simm.s32 $0x0;
	[sflag:s30] =	ssyncadd.s32 $0xFFFF9C00  }
.LBB2_2:
0x16: {  	s1 =	sshll.u32 s28, $0x8  }
0x17: {  	s6 =	simm.s32 $0x6400;
	s29 =	sshllo.u32 s28, $0x1;
	s1 =	sand.u32 $0x3FFFFF00, s1  }
0x18: {  	[tilespmem:s6], [sflag:$0x1] =	stream.indirect.gather [hbm4b:s5+s12], $0x20, s1, s12, $0xb8;
	[tilespmem:$0xA600] =	vst v63  }
0x19: {  	s14 =	simm.s32 $0x7400;
	s30 =	sshll.u32 s29, $0x7  }
0x1a: {  	[tilespmem:s14], [sflag:$0x2] =	stream.indirect.gather [hbm4b:s5+s12], $0x20, s30, s12, $0xb8;
	[tilespmem:$0xA600] =	vst v63  }
0x1b: {  	s6 =	simm.s32 $0x0;
	_ =	swait.ge [sflag:s17], $0x1000  }
0x1c: {  	v2 =	vmov s6;
	[sflag:s17] =	ssyncset.done $0x0  }
0x1d: {  	s1 =	simm.s32 $0x6440;
	v2 =	vand.u32 $0x7C, v2;
	[sflag:s17] =	ssyncadd.s32 $0xFFFFF000  }
0x1e: {  	v4 =	vadd.s32 v0, v2;
	v3 =	vld [tilespmem:s1+$0xFFFFFFC0]  }
0x1f: {  	v2 =	vadd.s32 v1, v2;
	v5 =	vld [tilespmem:s1+$0xFFFFFFD0];
	_ =	sdelay $0x2  }
0x20: {  	s11 =	simm.s32 $0x1  }
0x21: {  	[tilespmem:v4+s18+$0x0] =	vst.idx.msk $0xffff, v3;
	v3 =	vmov s11  }
0x22: {  	[tilespmem:v2+s18+$0x0] =	vst.idx.msk $0xffff, v5;
	v2 =	vand.u32 $0x7D, v3  }
0x23: {  	v3 =	vld [tilespmem:s1+$0xFFFFFFE0];
	v4 =	vadd.s32 v0, v2  }
0x24: {  	v5 =	vld [tilespmem:s1+$0xFFFFFFF0];
	v2 =	vadd.s32 v1, v2;
	_ =	sdelay $0x2  }
0x25: {  	s13 =	simm.s32 $0x2  }
0x26: {  	[tilespmem:v4+s18+$0x0] =	vst.idx.msk $0xffff, v3;
	v3 =	vmov s13  }
0x27: {  	[tilespmem:v2+s18+$0x0] =	vst.idx.msk $0xffff, v5;
	v2 =	vand.u32 $0x7E, v3  }
0x28: {  	v3 =	vld [tilespmem:s1+$0x0];
	v4 =	vadd.s32 v0, v2  }
0x29: {  	v5 =	vld [tilespmem:s1+$0x10];
	v2 =	vadd.s32 v1, v2;
	_ =	sdelay $0x2  }
0x2a: {  	s14 =	simm.s32 $0x3  }
0x2b: {  	[tilespmem:v4+s18+$0x0] =	vst.idx.msk $0xffff, v3;
	v3 =	vmov s14  }
0x2c: {  	[tilespmem:v2+s18+$0x0] =	vst.idx.msk $0xffff, v5;
	v3 =	vand.u32 $0x7F, v3  }
0x2d: {  	v5 =	vld [tilespmem:s1+$0x20];
	v6 =	vadd.s32 v0, v3;
	_ =	sdelay $0x1  }
0x2e: {  	v2 =	vld [tilespmem:s1+$0x30];
	v3 =	vadd.s32 v1, v3;
	_ =	sdelay $0x1  }
0x2f: {  	s13 =	simm.s32 $0x4  }
0x30: {  	s6 =	simm.s32 $0x8;
	v4 =	vmov s13;
	[tilespmem:v6+s18+$0x0] =	vst.idx.msk $0xffff, v5  }
.LBB2_3:
0x31: {  	p0 =	sne.s32 s6, $0x7C  }
0x32: {  	v4 =	vand.u32 $0x7C, v4;
	[tilespmem:v3+s18+$0x0] =	vst.idx.msk $0xffff, v2;
	s1 =	sadd.s32 $0x80, s1;
	s11 =	smov.u32 s6;
	s6 =	sadd.s32 $0x4, s6  }
0x33: {  	v2 =	vld [tilespmem:s1+$0xFFFFFFC0];
	v3 =	vadd.s32 v0, v4  }
0x34: {  	v4 =	vadd.s32 v1, v4;
	v5 =	vld [tilespmem:s1+$0xFFFFFFD0];
	_ =	sdelay $0x2  }
0x35: {  	s14 =	sadd.s32 $0x1, s13  }
0x36: {  	[tilespmem:v3+s18+$0x0] =	vst.idx.msk $0xffff, v2;
	v2 =	vmov s14  }
0x37: {  	[tilespmem:v4+s18+$0x0] =	vst.idx.msk $0xffff, v5;
	v2 =	vand.u32 $0x7D, v2  }
0x38: {  	v3 =	vld [tilespmem:s1+$0xFFFFFFE0];
	v4 =	vadd.s32 v0, v2  }
0x39: {  	v2 =	vadd.s32 v1, v2;
	v5 =	vld [tilespmem:s1+$0xFFFFFFF0];
	_ =	sdelay $0x2  }
0x3a: {  	s14 =	sadd.s32 $0x2, s13  }
0x3b: {  	[tilespmem:v4+s18+$0x0] =	vst.idx.msk $0xffff, v3;
	v3 =	vmov s14  }
0x3c: {  	[tilespmem:v2+s18+$0x0] =	vst.idx.msk $0xffff, v5;
	v2 =	vand.u32 $0x7E, v3  }
0x3d: {  	v3 =	vld [tilespmem:s1+$0x0];
	v4 =	vadd.s32 v0, v2  }
0x3e: {  	v2 =	vadd.s32 v1, v2;
	v5 =	vld [tilespmem:s1+$0x10];
	_ =	sdelay $0x2  }
0x3f: {  	s14 =	sadd.s32 $0x3, s13;
	s13 =	smov.u32 s11  }
0x40: {  	[tilespmem:v4+s18+$0x0] =	vst.idx.msk $0xffff, v3;
	v3 =	vmov s14  }
0x41: {  	[tilespmem:v2+s18+$0x0] =	vst.idx.msk $0xffff, v5;
	v3 =	vand.u32 $0x7F, v3  }
0x42: {  	v5 =	vld [tilespmem:s1+$0x20];
	v6 =	vadd.s32 v0, v3  }
.Ltmp0:
0x43: {  	v3 =	vadd.s32 v1, v3;
	v2 =	vld [tilespmem:s1+$0x30];
	(pc) =	sbr.rel @p0 .LBB2_3-.Ltmp0, $2  }
0x44: {  	_ =	sdelay $0x2  }
0x45: {  	v4 =	vmov s13;
	[tilespmem:v6+s18+$0x0] =	vst.idx.msk $0xffff, v5  }
0x46: {  	_ =	sdelay $0x3  }
0x47: {  	v4 =	vand.u32 $0x7C, v4;
	[tilespmem:v3+s18+$0x0] =	vst.idx.msk $0xffff, v2;
	s1 =	sadd.s32 $0x80, s1  }
0x48: {  	v2 =	vld [tilespmem:s1+$0xFFFFFFC0];
	v3 =	vadd.s32 v0, v4  }
0x49: {  	v5 =	vld [tilespmem:s1+$0xFFFFFFD0];
	v4 =	vadd.s32 v1, v4;
	_ =	sdelay $0x2  }
0x4a: {  	s6 =	sadd.s32 $0x1, s13  }
0x4b: {  	[tilespmem:v3+s18+$0x0] =	vst.idx.msk $0xffff, v2;
	v2 =	vmov s6  }
0x4c: {  	[tilespmem:v4+s18+$0x0] =	vst.idx.msk $0xffff, v5;
	v2 =	vand.u32 $0x7D, v2  }
0x4d: {  	v3 =	vld [tilespmem:s1+$0xFFFFFFE0];
	v4 =	vadd.s32 v0, v2  }
0x4e: {  	v5 =	vld [tilespmem:s1+$0xFFFFFFF0];
	v2 =	vadd.s32 v1, v2;
	_ =	sdelay $0x2  }
0x4f: {  	s14 =	sadd.s32 $0x2, s13  }
0x50: {  	[tilespmem:v4+s18+$0x0] =	vst.idx.msk $0xffff, v3;
	v3 =	vmov s14  }
0x51: {  	[tilespmem:v2+s18+$0x0] =	vst.idx.msk $0xffff, v5;
	v2 =	vand.u32 $0x7E, v3  }
0x52: {  	v3 =	vld [tilespmem:s1+$0x0];
	v4 =	vadd.s32 v0, v2  }
0x53: {  	v5 =	vld [tilespmem:s1+$0x10];
	v2 =	vadd.s32 v1, v2;
	_ =	sdelay $0x2  }
0x54: {  	s11 =	sadd.s32 $0x3, s13  }
0x55: {  	[tilespmem:v4+s18+$0x0] =	vst.idx.msk $0xffff, v3;
	v3 =	vmov s11  }
0x56: {  	[tilespmem:v2+s18+$0x0] =	vst.idx.msk $0xffff, v5;
	v2 =	vand.u32 $0x7F, v3  }
0x57: {  	v3 =	vld [tilespmem:s1+$0x20];
	v4 =	vadd.s32 v0, v2  }
0x58: {  	v5 =	vld [tilespmem:s1+$0x30];
	v2 =	vadd.s32 v1, v2;
	_ =	sdelay $0x2  }
0x59: {  	s13 =	sshll.u32 s28, $0xF  }
0x5a: {  	s6 =	sor.u32 s7, s13;
	[tilespmem:v4+s18+$0x0] =	vst.idx.msk $0xffff, v3  }
0x5b: {  	s11 =	sadd.s32 s2, s6;
	s1 =	simm.s32 $0x0;
	[tilespmem:v2+s18+$0x0] =	vst.idx.msk $0xffff, v5  }
0x5c: {  	[hbm4b:s11+s1] =	stream.linear.scatter [tilespmem:s18], [sflag:$0x3], $0x80, $0x38;
	[tilespmem:$0xA600] =	vst v63  }
0x5d: {  	s14 =	simm.s32 $0x8488;
	s13 =	sadd.s32 $0x10, s11  }
0x5e: {  	[hbm4b:s13+s1] =	stream.linear.scatter [tilespmem:s14], [sflag:$0x3], $0x80, $0x38;
	[tilespmem:$0xA600] =	vst v63  }
0x5f: {  	s13 =	sadd.s32 $0x20, s11;
	s14 =	simm.s32 $0x8510  }
0x60: {  	[hbm4b:s13+s1] =	stream.linear.scatter [tilespmem:s14], [sflag:$0x3], $0x80, $0x38;
	[tilespmem:$0xA600] =	vst v63  }
0x61: {  	s13 =	sadd.s32 $0x30, s11;
	s14 =	simm.s32 $0x8598  }
0x62: {  	[hbm4b:s13+s1] =	stream.linear.scatter [tilespmem:s14], [sflag:$0x3], $0x80, $0x38;
	[tilespmem:$0xA600] =	vst v63  }
0x63: {  	s13 =	sadd.s32 $0x40, s11;
	s14 =	simm.s32 $0x8620  }
0x64: {  	[hbm4b:s13+s1] =	stream.linear.scatter [tilespmem:s14], [sflag:$0x3], $0x80, $0x38;
	[tilespmem:$0xA600] =	vst v63  }
0x65: {  	s13 =	sadd.s32 $0x50, s11;
	s14 =	simm.s32 $0x86A8  }
0x66: {  	[hbm4b:s13+s1] =	stream.linear.scatter [tilespmem:s14], [sflag:$0x3], $0x80, $0x38;
	[tilespmem:$0xA600] =	vst v63  }
0x67: {  	s13 =	sadd.s32 $0x60, s11;
	s14 =	simm.s32 $0x8730  }
0x68: {  	[hbm4b:s13+s1] =	stream.linear.scatter [tilespmem:s14], [sflag:$0x3], $0x80, $0x38;
	[tilespmem:$0xA600] =	vst v63  }
0x69: {  	s11 =	sadd.s32 $0x70, s11;
	s14 =	simm.s32 $0x87B8  }
0x6a: {  	[hbm4b:s11+s1] =	stream.linear.scatter [tilespmem:s14], [sflag:$0x3], $0x80, $0x38;
	[tilespmem:$0xA600] =	vst v63  }
0x6b: {  	s11 =	sadd.s32 s6, s8;
	s14 =	simm.s32 $0x8840  }
0x6c: {  	[hbm4b:s11+s1] =	stream.linear.scatter [tilespmem:s14], [sflag:$0x3], $0x80, $0x38;
	[tilespmem:$0xA600] =	vst v63  }
0x6d: {  	s13 =	sadd.s32 $0x10, s11;
	s14 =	simm.s32 $0x88C8  }
0x6e: {  	[hbm4b:s13+s1] =	stream.linear.scatter [tilespmem:s14], [sflag:$0x3], $0x80, $0x38;
	[tilespmem:$0xA600] =	vst v63  }
0x6f: {  	s13 =	sadd.s32 $0x20, s11;
	s14 =	simm.s32 $0x8950  }
0x70: {  	[hbm4b:s13+s1] =	stream.linear.scatter [tilespmem:s14], [sflag:$0x3], $0x80, $0x38;
	[tilespmem:$0xA600] =	vst v63  }
0x71: {  	s13 =	sadd.s32 $0x30, s11;
	s14 =	simm.s32 $0x89D8  }
0x72: {  	[hbm4b:s13+s1] =	stream.linear.scatter [tilespmem:s14], [sflag:$0x3], $0x80, $0x38;
	[tilespmem:$0xA600] =	vst v63  }
0x73: {  	s13 =	sadd.s32 $0x40, s11;
	s14 =	simm.s32 $0x8A60  }
0x74: {  	[hbm4b:s13+s1] =	stream.linear.scatter [tilespmem:s14], [sflag:$0x3], $0x80, $0x38;
	[tilespmem:$0xA600] =	vst v63  }
0x75: {  	s13 =	sadd.s32 $0x50, s11;
	s14 =	simm.s32 $0x8AE8  }
0x76: {  	[hbm4b:s13+s1] =	stream.linear.scatter [tilespmem:s14], [sflag:$0x3], $0x80, $0x38;
	[tilespmem:$0xA600] =	vst v63  }
0x77: {  	s13 =	sadd.s32 $0x60, s11;
	s14 =	simm.s32 $0x8B70  }
0x78: {  	[hbm4b:s13+s1] =	stream.linear.scatter [tilespmem:s14], [sflag:$0x3], $0x80, $0x38;
	[tilespmem:$0xA600] =	vst v63  }
0x79: {  	s11 =	sadd.s32 $0x70, s11;
	s14 =	simm.s32 $0x8BF8  }
0x7a: {  	[hbm4b:s11+s1] =	stream.linear.scatter [tilespmem:s14], [sflag:$0x3], $0x80, $0x38;
	[tilespmem:$0xA600] =	vst v63  }
0x7b: {  	s11 =	sadd.s32 s6, s9;
	s14 =	simm.s32 $0x8C80  }
0x7c: {  	[hbm4b:s11+s1] =	stream.linear.scatter [tilespmem:s14], [sflag:$0x3], $0x80, $0x38;
	[tilespmem:$0xA600] =	vst v63  }
0x7d: {  	s13 =	sadd.s32 $0x10, s11;
	s14 =	simm.s32 $0x8D08  }
0x7e: {  	[hbm4b:s13+s1] =	stream.linear.scatter [tilespmem:s14], [sflag:$0x3], $0x80, $0x38;
	[tilespmem:$0xA600] =	vst v63  }
0x7f: {  	s13 =	sadd.s32 $0x20, s11;
	s14 =	simm.s32 $0x8D90  }
0x80: {  	[hbm4b:s13+s1] =	stream.linear.scatter [tilespmem:s14], [sflag:$0x3], $0x80, $0x38;
	[tilespmem:$0xA600] =	vst v63  }
0x81: {  	s13 =	sadd.s32 $0x30, s11;
	s14 =	simm.s32 $0x8E18  }
0x82: {  	[hbm4b:s13+s1] =	stream.linear.scatter [tilespmem:s14], [sflag:$0x3], $0x80, $0x38;
	[tilespmem:$0xA600] =	vst v63  }
0x83: {  	s13 =	sadd.s32 $0x40, s11;
	s14 =	simm.s32 $0x8EA0  }
0x84: {  	[hbm4b:s13+s1] =	stream.linear.scatter [tilespmem:s14], [sflag:$0x3], $0x80, $0x38;
	[tilespmem:$0xA600] =	vst v63  }
0x85: {  	s13 =	sadd.s32 $0x50, s11;
	s14 =	simm.s32 $0x8F28  }
0x86: {  	[hbm4b:s13+s1] =	stream.linear.scatter [tilespmem:s14], [sflag:$0x3], $0x80, $0x38;
	[tilespmem:$0xA600] =	vst v63  }
0x87: {  	s13 =	sadd.s32 $0x60, s11;
	s14 =	simm.s32 $0x8FB0  }
0x88: {  	[hbm4b:s13+s1] =	stream.linear.scatter [tilespmem:s14], [sflag:$0x3], $0x80, $0x38;
	[tilespmem:$0xA600] =	vst v63  }
0x89: {  	s11 =	sadd.s32 $0x70, s11;
	s14 =	simm.s32 $0x9038  }
0x8a: {  	[hbm4b:s11+s1] =	stream.linear.scatter [tilespmem:s14], [sflag:$0x3], $0x80, $0x38;
	[tilespmem:$0xA600] =	vst v63  }
0x8b: {  	s6 =	sadd.s32 s6, s10;
	s14 =	simm.s32 $0x90C0  }
0x8c: {  	[hbm4b:s6+s1] =	stream.linear.scatter [tilespmem:s14], [sflag:$0x3], $0x80, $0x38;
	[tilespmem:$0xA600] =	vst v63  }
0x8d: {  	s13 =	sadd.s32 $0x10, s6;
	s14 =	simm.s32 $0x9148  }
0x8e: {  	[hbm4b:s13+s1] =	stream.linear.scatter [tilespmem:s14], [sflag:$0x3], $0x80, $0x38;
	[tilespmem:$0xA600] =	vst v63  }
0x8f: {  	s13 =	sadd.s32 $0x20, s6;
	s14 =	simm.s32 $0x91D0  }
0x90: {  	[hbm4b:s13+s1] =	stream.linear.scatter [tilespmem:s14], [sflag:$0x3], $0x80, $0x38;
	[tilespmem:$0xA600] =	vst v63  }
0x91: {  	s13 =	sadd.s32 $0x30, s6;
	s14 =	simm.s32 $0x9258  }
0x92: {  	[hbm4b:s13+s1] =	stream.linear.scatter [tilespmem:s14], [sflag:$0x3], $0x80, $0x38;
	[tilespmem:$0xA600] =	vst v63  }
0x93: {  	s13 =	sadd.s32 $0x40, s6;
	s14 =	simm.s32 $0x92E0  }
0x94: {  	[hbm4b:s13+s1] =	stream.linear.scatter [tilespmem:s14], [sflag:$0x3], $0x80, $0x38;
	[tilespmem:$0xA600] =	vst v63  }
0x95: {  	s13 =	sadd.s32 $0x50, s6;
	s14 =	simm.s32 $0x9368  }
0x96: {  	[hbm4b:s13+s1] =	stream.linear.scatter [tilespmem:s14], [sflag:$0x3], $0x80, $0x38;
	[tilespmem:$0xA600] =	vst v63  }
0x97: {  	s13 =	sadd.s32 $0x60, s6;
	s14 =	simm.s32 $0x93F0  }
0x98: {  	[hbm4b:s13+s1] =	stream.linear.scatter [tilespmem:s14], [sflag:$0x3], $0x80, $0x38;
	[tilespmem:$0xA600] =	vst v63  }
0x99: {  	s6 =	sadd.s32 $0x70, s6;
	s14 =	simm.s32 $0x9478  }
0x9a: {  	[hbm4b:s6+s1] =	stream.linear.scatter [tilespmem:s14], [sflag:$0x3], $0x80, $0x38;
	[tilespmem:$0xA600] =	vst v63  }
0x9b: {  	_ =	swait.ge [sflag:s31], $0x1000  }
0x9c: {  	v2 =	vmov s1;
	[sflag:s31] =	ssyncset.done $0x0  }
0x9d: {  	v2 =	vand.u32 $0x7C, v2;
	s1 =	simm.s32 $0x7440;
	[sflag:s31] =	ssyncadd.s32 $0xFFFFF000  }
0x9e: {  	v4 =	vadd.s32 v0, v2;
	v3 =	vld [tilespmem:s1+$0xFFFFFFC0]  }
0x9f: {  	v2 =	vadd.s32 v1, v2;
	v5 =	vld [tilespmem:s1+$0xFFFFFFD0];
	_ =	sdelay $0x2  }
0xa0: {  	s11 =	simm.s32 $0x1  }
0xa1: {  	[tilespmem:v4+s0+$0x0] =	vst.idx.msk $0xffff, v3;
	v3 =	vmov s11  }
0xa2: {  	[tilespmem:v2+s0+$0x0] =	vst.idx.msk $0xffff, v5;
	v2 =	vand.u32 $0x7D, v3  }
0xa3: {  	v3 =	vld [tilespmem:s1+$0xFFFFFFE0];
	v4 =	vadd.s32 v0, v2  }
0xa4: {  	v5 =	vld [tilespmem:s1+$0xFFFFFFF0];
	v2 =	vadd.s32 v1, v2;
	_ =	sdelay $0x2  }
0xa5: {  	s13 =	simm.s32 $0x2  }
0xa6: {  	[tilespmem:v4+s0+$0x0] =	vst.idx.msk $0xffff, v3;
	v3 =	vmov s13  }
0xa7: {  	[tilespmem:v2+s0+$0x0] =	vst.idx.msk $0xffff, v5;
	v2 =	vand.u32 $0x7E, v3  }
0xa8: {  	v3 =	vld [tilespmem:s1+$0x0];
	v4 =	vadd.s32 v0, v2  }
0xa9: {  	v5 =	vld [tilespmem:s1+$0x10];
	v2 =	vadd.s32 v1, v2;
	_ =	sdelay $0x2  }
0xaa: {  	s14 =	simm.s32 $0x3  }
0xab: {  	[tilespmem:v4+s0+$0x0] =	vst.idx.msk $0xffff, v3;
	v3 =	vmov s14  }
0xac: {  	[tilespmem:v2+s0+$0x0] =	vst.idx.msk $0xffff, v5;
	v3 =	vand.u32 $0x7F, v3  }
0xad: {  	v5 =	vld [tilespmem:s1+$0x20];
	v6 =	vadd.s32 v0, v3;
	_ =	sdelay $0x1  }
0xae: {  	v2 =	vld [tilespmem:s1+$0x30];
	v3 =	vadd.s32 v1, v3;
	_ =	sdelay $0x1  }
0xaf: {  	s13 =	simm.s32 $0x4  }
0xb0: {  	s6 =	simm.s32 $0x8;
	v4 =	vmov s13;
	[tilespmem:v6+s0+$0x0] =	vst.idx.msk $0xffff, v5  }
.LBB2_5:
0xb1: {  	p0 =	sne.s32 s6, $0x7C  }
0xb2: {  	v4 =	vand.u32 $0x7C, v4;
	[tilespmem:v3+s0+$0x0] =	vst.idx.msk $0xffff, v2;
	s1 =	sadd.s32 $0x80, s1;
	s11 =	smov.u32 s6;
	s6 =	sadd.s32 $0x4, s6  }
0xb3: {  	v2 =	vld [tilespmem:s1+$0xFFFFFFC0];
	v3 =	vadd.s32 v0, v4  }
0xb4: {  	v4 =	vadd.s32 v1, v4;
	v5 =	vld [tilespmem:s1+$0xFFFFFFD0];
	_ =	sdelay $0x2  }
0xb5: {  	s14 =	sadd.s32 $0x1, s13  }
0xb6: {  	[tilespmem:v3+s0+$0x0] =	vst.idx.msk $0xffff, v2;
	v2 =	vmov s14  }
0xb7: {  	[tilespmem:v4+s0+$0x0] =	vst.idx.msk $0xffff, v5;
	v2 =	vand.u32 $0x7D, v2  }
0xb8: {  	v3 =	vld [tilespmem:s1+$0xFFFFFFE0];
	v4 =	vadd.s32 v0, v2  }
0xb9: {  	v2 =	vadd.s32 v1, v2;
	v5 =	vld [tilespmem:s1+$0xFFFFFFF0];
	_ =	sdelay $0x2  }
0xba: {  	s14 =	sadd.s32 $0x2, s13  }
0xbb: {  	[tilespmem:v4+s0+$0x0] =	vst.idx.msk $0xffff, v3;
	v3 =	vmov s14  }
0xbc: {  	[tilespmem:v2+s0+$0x0] =	vst.idx.msk $0xffff, v5;
	v2 =	vand.u32 $0x7E, v3  }
0xbd: {  	v3 =	vld [tilespmem:s1+$0x0];
	v4 =	vadd.s32 v0, v2  }
0xbe: {  	v2 =	vadd.s32 v1, v2;
	v5 =	vld [tilespmem:s1+$0x10];
	_ =	sdelay $0x2  }
0xbf: {  	s14 =	sadd.s32 $0x3, s13;
	s13 =	smov.u32 s11  }
0xc0: {  	[tilespmem:v4+s0+$0x0] =	vst.idx.msk $0xffff, v3;
	v3 =	vmov s14  }
0xc1: {  	[tilespmem:v2+s0+$0x0] =	vst.idx.msk $0xffff, v5;
	v3 =	vand.u32 $0x7F, v3  }
0xc2: {  	v5 =	vld [tilespmem:s1+$0x20];
	v6 =	vadd.s32 v0, v3  }
.Ltmp1:
0xc3: {  	v3 =	vadd.s32 v1, v3;
	v2 =	vld [tilespmem:s1+$0x30];
	(pc) =	sbr.rel @p0 .LBB2_5-.Ltmp1, $2  }
0xc4: {  	_ =	sdelay $0x2  }
0xc5: {  	v4 =	vmov s13;
	[tilespmem:v6+s0+$0x0] =	vst.idx.msk $0xffff, v5  }
0xc6: {  	_ =	sdelay $0x3  }
0xc7: {  	v4 =	vand.u32 $0x7C, v4;
	[tilespmem:v3+s0+$0x0] =	vst.idx.msk $0xffff, v2;
	s1 =	sadd.s32 $0x80, s1  }
0xc8: {  	v2 =	vld [tilespmem:s1+$0xFFFFFFC0];
	v3 =	vadd.s32 v0, v4  }
0xc9: {  	v5 =	vld [tilespmem:s1+$0xFFFFFFD0];
	v4 =	vadd.s32 v1, v4;
	_ =	sdelay $0x2  }
0xca: {  	s6 =	sadd.s32 $0x1, s13  }
0xcb: {  	[tilespmem:v3+s0+$0x0] =	vst.idx.msk $0xffff, v2;
	v2 =	vmov s6  }
0xcc: {  	[tilespmem:v4+s0+$0x0] =	vst.idx.msk $0xffff, v5;
	v2 =	vand.u32 $0x7D, v2  }
0xcd: {  	v3 =	vld [tilespmem:s1+$0xFFFFFFE0];
	v60 =	vadd.s32 v0, v2  }
0xce: {  	v5 =	vld [tilespmem:s1+$0xFFFFFFF0];
	v2 =	vadd.s32 v1, v2;
	_ =	sdelay $0x2  }
0xcf: {  	s11 =	sadd.s32 $0x2, s13  }
0xd0: {  	v6 =	vmov s11;
	[tilespmem:v60+s0+$0x0] =	vst.idx.msk $0xffff, v3  }
0xd1: {  	[tilespmem:v2+s0+$0x0] =	vst.idx.msk $0xffff, v5;
	v2 =	vand.u32 $0x7E, v6  }
0xd2: {  	v3 =	vld [tilespmem:s1+$0x0];
	v61 =	vadd.s32 v0, v2  }
0xd3: {  	v5 =	vld [tilespmem:s1+$0x10];
	v2 =	vadd.s32 v1, v2;
	_ =	sdelay $0x2  }
0xd4: {  	s13 =	sadd.s32 $0x3, s13  }
0xd5: {  	v62 =	vmov s13;
	[tilespmem:v61+s0+$0x0] =	vst.idx.msk $0xffff, v3  }
0xd6: {  	[tilespmem:v2+s0+$0x0] =	vst.idx.msk $0xffff, v5;
	v2 =	vand.u32 $0x7F, v62  }
0xd7: {  	v3 =	vld [tilespmem:s1+$0x20];
	v63 =	vadd.s32 v0, v2  }
0xd8: {  	v5 =	vld [tilespmem:s1+$0x30];
	v2 =	vadd.s32 v1, v2;
	_ =	sdelay $0x1  }
0xd9: {  	s14 =	sor.u32 s4, s30  }
0xda: {  	s1 =	sshll.u32 s14, $0x7  }
0xdb: {  	s1 =	sand.u32 $0x1FFFCF80, s1;
	[tilespmem:v63+s0+$0x0] =	vst.idx.msk $0xffff, v3  }
0xdc: {  	s1 =	sadd.s32 s2, s1;
	[tilespmem:v2+s0+$0x0] =	vst.idx.msk $0xffff, v5  }
0xdd: {  	[hbm4b:s1+s3] =	stream.linear.scatter [tilespmem:s0], [sflag:$0x4], $0x80, $0x38;
	[tilespmem:$0xA600] =	vst v63  }
0xde: {  	s11 =	simm.s32 $0x9588;
	s30 =	sadd.s32 $0x10, s1  }
0xdf: {  	[hbm4b:s30+s3] =	stream.linear.scatter [tilespmem:s11], [sflag:$0x4], $0x80, $0x38;
	[tilespmem:$0xA600] =	vst v63  }
0xe0: {  	s13 =	simm.s32 $0x9610;
	s11 =	sadd.s32 $0x20, s1  }
0xe1: {  	[hbm4b:s11+s3] =	stream.linear.scatter [tilespmem:s13], [sflag:$0x4], $0x80, $0x38;
	[tilespmem:$0xA600] =	vst v63  }
0xe2: {  	s14 =	sadd.s32 $0x30, s1;
	s30 =	simm.s32 $0x9698  }
0xe3: {  	[hbm4b:s14+s3] =	stream.linear.scatter [tilespmem:s30], [sflag:$0x4], $0x80, $0x38;
	[tilespmem:$0xA600] =	vst v63  }
0xe4: {  	s11 =	sadd.s32 $0x40, s1;
	s13 =	simm.s32 $0x9720  }
0xe5: {  	[hbm4b:s11+s3] =	stream.linear.scatter [tilespmem:s13], [sflag:$0x4], $0x80, $0x38;
	[tilespmem:$0xA600] =	vst v63  }
0xe6: {  	s14 =	sadd.s32 $0x50, s1;
	s30 =	simm.s32 $0x97A8  }
0xe7: {  	[hbm4b:s14+s3] =	stream.linear.scatter [tilespmem:s30], [sflag:$0x4], $0x80, $0x38;
	[tilespmem:$0xA600] =	vst v63  }
0xe8: {  	s11 =	sadd.s32 $0x60, s1;
	s13 =	simm.s32 $0x9830  }
0xe9: {  	[hbm4b:s11+s3] =	stream.linear.scatter [tilespmem:s13], [sflag:$0x4], $0x80, $0x38;
	[tilespmem:$0xA600] =	vst v63  }
0xea: {  	s29 =	sshll.u32 s29, $0xE;
	s1 =	sadd.s32 $0x70, s1;
	s14 =	simm.s32 $0x98B8  }
0xeb: {  	[hbm4b:s1+s3] =	stream.linear.scatter [tilespmem:s14], [sflag:$0x4], $0x80, $0x38;
	[tilespmem:$0xA600] =	vst v63  }
0xec: {  	s1 =	sor.u32 s7, s29  }
0xed: {  	s30 =	simm.s32 $0x9940;
	s6 =	sadd.s32 s1, s8  }
0xee: {  	[hbm4b:s6+s3] =	stream.linear.scatter [tilespmem:s30], [sflag:$0x4], $0x80, $0x38;
	[tilespmem:$0xA600] =	vst v63  }
0xef: {  	s14 =	simm.s32 $0x99C8;
	s13 =	sadd.s32 $0x10, s6  }
0xf0: {  	[hbm4b:s13+s3] =	stream.linear.scatter [tilespmem:s14], [sflag:$0x4], $0x80, $0x38;
	[tilespmem:$0xA600] =	vst v63  }
0xf1: {  	s29 =	sadd.s32 $0x20, s6;
	s30 =	simm.s32 $0x9A50  }
0xf2: {  	[hbm4b:s29+s3] =	stream.linear.scatter [tilespmem:s30], [sflag:$0x4], $0x80, $0x38;
	[tilespmem:$0xA600] =	vst v63  }
0xf3: {  	s13 =	sadd.s32 $0x30, s6;
	s14 =	simm.s32 $0x9AD8  }
0xf4: {  	[hbm4b:s13+s3] =	stream.linear.scatter [tilespmem:s14], [sflag:$0x4], $0x80, $0x38;
	[tilespmem:$0xA600] =	vst v63  }
0xf5: {  	s29 =	sadd.s32 $0x40, s6;
	s30 =	simm.s32 $0x9B60  }
0xf6: {  	[hbm4b:s29+s3] =	stream.linear.scatter [tilespmem:s30], [sflag:$0x4], $0x80, $0x38;
	[tilespmem:$0xA600] =	vst v63  }
0xf7: {  	s13 =	sadd.s32 $0x50, s6;
	s14 =	simm.s32 $0x9BE8  }
0xf8: {  	[hbm4b:s13+s3] =	stream.linear.scatter [tilespmem:s14], [sflag:$0x4], $0x80, $0x38;
	[tilespmem:$0xA600] =	vst v63  }
0xf9: {  	s29 =	sadd.s32 $0x60, s6;
	s30 =	simm.s32 $0x9C70  }
0xfa: {  	[hbm4b:s29+s3] =	stream.linear.scatter [tilespmem:s30], [sflag:$0x4], $0x80, $0x38;
	[tilespmem:$0xA600] =	vst v63  }
0xfb: {  	s6 =	sadd.s32 $0x70, s6;
	s13 =	simm.s32 $0x9CF8  }
0xfc: {  	[hbm4b:s6+s3] =	stream.linear.scatter [tilespmem:s13], [sflag:$0x4], $0x80, $0x38;
	[tilespmem:$0xA600] =	vst v63  }
0xfd: {  	s14 =	simm.s32 $0x9D80;
	s6 =	sadd.s32 s1, s9  }
0xfe: {  	[hbm4b:s6+s3] =	stream.linear.scatter [tilespmem:s14], [sflag:$0x4], $0x80, $0x38;
	[tilespmem:$0xA600] =	vst v63  }
0xff: {  	s30 =	simm.s32 $0x9E08;
	s29 =	sadd.s32 $0x10, s6  }
0x100: {  	[hbm4b:s29+s3] =	stream.linear.scatter [tilespmem:s30], [sflag:$0x4], $0x80, $0x38;
	[tilespmem:$0xA600] =	vst v63  }
0x101: {  	s13 =	sadd.s32 $0x20, s6;
	s14 =	simm.s32 $0x9E90  }
0x102: {  	[hbm4b:s13+s3] =	stream.linear.scatter [tilespmem:s14], [sflag:$0x4], $0x80, $0x38;
	[tilespmem:$0xA600] =	vst v63  }
0x103: {  	s29 =	sadd.s32 $0x30, s6;
	s30 =	simm.s32 $0x9F18  }
0x104: {  	[hbm4b:s29+s3] =	stream.linear.scatter [tilespmem:s30], [sflag:$0x4], $0x80, $0x38;
	[tilespmem:$0xA600] =	vst v63  }
0x105: {  	s13 =	sadd.s32 $0x40, s6;
	s14 =	simm.s32 $0x9FA0  }
0x106: {  	[hbm4b:s13+s3] =	stream.linear.scatter [tilespmem:s14], [sflag:$0x4], $0x80, $0x38;
	[tilespmem:$0xA600] =	vst v63  }
0x107: {  	s29 =	sadd.s32 $0x50, s6;
	s30 =	simm.s32 $0xA028  }
0x108: {  	[hbm4b:s29+s3] =	stream.linear.scatter [tilespmem:s30], [sflag:$0x4], $0x80, $0x38;
	[tilespmem:$0xA600] =	vst v63  }
0x109: {  	s13 =	sadd.s32 $0x60, s6;
	s14 =	simm.s32 $0xA0B0  }
0x10a: {  	[hbm4b:s13+s3] =	stream.linear.scatter [tilespmem:s14], [sflag:$0x4], $0x80, $0x38;
	[tilespmem:$0xA600] =	vst v63  }
0x10b: {  	s6 =	sadd.s32 $0x70, s6;
	s29 =	simm.s32 $0xA138  }
0x10c: {  	[hbm4b:s6+s3] =	stream.linear.scatter [tilespmem:s29], [sflag:$0x4], $0x80, $0x38;
	[tilespmem:$0xA600] =	vst v63  }
0x10d: {  	s1 =	sadd.s32 s1, s10  }
0x10e: {  	[hbm4b:s1+s3] =	stream.linear.scatter [tilespmem:s15], [sflag:$0x4], $0x80, $0x38;
	[tilespmem:$0xA600] =	vst v63  }
0x10f: {  	s30 =	sadd.s32 $0x10, s1  }
0x110: {  	[hbm4b:s30+s3] =	stream.linear.scatter [tilespmem:s16], [sflag:$0x4], $0x80, $0x38;
	[tilespmem:$0xA600] =	vst v63  }
0x111: {  	s11 =	sadd.s32 $0x20, s1  }
0x112: {  	[hbm4b:s11+s3] =	stream.linear.scatter [tilespmem:s19], [sflag:$0x4], $0x80, $0x38;
	[tilespmem:$0xA600] =	vst v63  }
0x113: {  	s13 =	sadd.s32 $0x30, s1  }
0x114: {  	[hbm4b:s13+s3] =	stream.linear.scatter [tilespmem:s20], [sflag:$0x4], $0x80, $0x38;
	[tilespmem:$0xA600] =	vst v63  }
0x115: {  	s14 =	sadd.s32 $0x40, s1  }
0x116: {  	[hbm4b:s14+s3] =	stream.linear.scatter [tilespmem:s21], [sflag:$0x4], $0x80, $0x38;
	[tilespmem:$0xA600] =	vst v63  }
0x117: {  	s29 =	sadd.s32 $0x50, s1  }
0x118: {  	[hbm4b:s29+s3] =	stream.linear.scatter [tilespmem:s22], [sflag:$0x4], $0x80, $0x38;
	[tilespmem:$0xA600] =	vst v63  }
0x119: {  	s30 =	sadd.s32 $0x60, s1  }
0x11a: {  	[hbm4b:s30+s3] =	stream.linear.scatter [tilespmem:s23], [sflag:$0x4], $0x80, $0x38;
	[tilespmem:$0xA600] =	vst v63  }
0x11b: {  	s1 =	sadd.s32 $0x70, s1  }
0x11c: {  	[hbm4b:s1+s3] =	stream.linear.scatter [tilespmem:s24], [sflag:$0x4], $0x80, $0x38;
	[tilespmem:$0xA600] =	vst v63  }
0x11d: {  	_ =	swait.ge [sflag:s25], $0x400  }
0x11e: {  	[sflag:s25] =	ssyncset.done $0x0  }
0x11f: {  	[sflag:s25] =	ssyncadd.s32 $0xFFFFFC00  }
0x120: {  	_ =	swait.ge [sflag:s25], $0x400  }
0x121: {  	[sflag:s25] =	ssyncset.done $0x0  }
0x122: {  	[sflag:s25] =	ssyncadd.s32 $0xFFFFFC00  }
0x123: {  	_ =	swait.ge [sflag:s25], $0x400  }
0x124: {  	[sflag:s25] =	ssyncset.done $0x0  }
0x125: {  	[sflag:s25] =	ssyncadd.s32 $0xFFFFFC00  }
0x126: {  	_ =	swait.ge [sflag:s25], $0x400  }
0x127: {  	[sflag:s25] =	ssyncset.done $0x0  }
0x128: {  	[sflag:s25] =	ssyncadd.s32 $0xFFFFFC00  }
0x129: {  	_ =	swait.ge [sflag:s26], $0x400  }
0x12a: {  	[sflag:s26] =	ssyncset.done $0x0  }
0x12b: {  	[sflag:s26] =	ssyncadd.s32 $0xFFFFFC00  }
0x12c: {  	_ =	swait.ge [sflag:s26], $0x400  }
0x12d: {  	[sflag:s26] =	ssyncset.done $0x0  }
0x12e: {  	s28 =	sadd.s32 $0x1, s28;
	[sflag:s26] =	ssyncadd.s32 $0xFFFFFC00  }
0x12f: {  	p0 =	sne.s32 s28, $0x64;
	_ =	swait.ge [sflag:s26], $0x400  }
.Ltmp2:
0x130: {  	[sflag:s26] =	ssyncset.done $0x0;
	(pc) =	sbr.rel @p0 .LBB2_2-.Ltmp2, $4  }
0x131: {  	[sflag:s26] =	ssyncadd.s32 $0xFFFFFC00  }
0x132: {  	_ =	swait.ge [sflag:s26], $0x400  }
0x133: {  	[sflag:s26] =	ssyncset.done $0x0  }
0x134: {  	[sflag:s26] =	ssyncadd.s32 $0xFFFFFC00  }
0x135: {  	s6 =	rddreg [dreg:$0x5]  }
0x136: {  	s1 =	rddreg [dreg:$0x4];
	s6 =	sadd.s32 $0x1, s6  }
0x137: {  	p0 =	sne.s32 s6, s1  }
.Ltmp3:
0x138: {  	_ = 	snop;
	(pc) =	sbr.rel @p0 .LBB2_1-.Ltmp3, $1  }
0x139: {  	_ =	sdelay $0x3  }
0x13a: {  	_ =	sfence.sel $0x180000  }
0x13b: {  	[bflag:$0x0] =	sbarrier.arrive $0xFFFF  }
0x13c: {  	_ =	strace $0x90000047  }
0x13d: {  	s0 =	stileid.u32;
	[bflag:$0x2] =	sbarrier.arrive $0xFFFF  }
0x13e: {  	p0 =	sne.s32 s0, $0x0;
	s0 =	rddreg [dreg:$0x2]  }
0x13f: {  	s0 =	sadd.s32 @!p0 $0x100000, s0  }
0x140: {  	[sflag:s0] =	ssyncadd.tile.s32 @!p0 $0x1;
	_ =	shalt  }
.Lfunc_end2:
_tile_overlayer_lowered:
.L_overlay_start_2:
0x141: {  	(tag) =	ssettag $0x2  }
0x142: {  	s0 =	rddreg [dreg:$0x0];
	s2 =	stileid.u32  }
0x143: {  	s1 =	rddreg [dreg:$0x1];
	p0 =	sne.s32 s2, $0x0  }
0x144: {  	s3 =	rddreg [dreg:$0x2];
	[bflag:$0x3] =	sbarrier.arrive $0xFFFF;
	s2 =	simm.s32 @!p0 $0x1C05  }
0x145: {  	[timem:s3], [sflag:s2] =	dma.local @!p0 [hbm:s0], s1  }
0x146: {  	s0 =	simm.s32 @!p0 $0x5  }
0x147: {  	_ =	swait.ge @!p0 [sflag:s0], s1  }
0x148: {  	s1 =	ssub.s32 @!p0 $0x0, s1;
	[sflag:s0] =	ssyncset.done @!p0 $0x0  }
0x149: {  	[sflag:s0] =	ssyncadd.s32 @!p0 s1  }
0x14a: {  	[bflag:$0x3] =	sbarrier.arrive $0xFFFF  }
0x14b: {  	_ =	shalt  }

</sc_bundles>
